<compile_context>
chip_gen: v7x
topology: tpu7x:2x2x1
jax: 0.10.2.dev20260603
libtpu: 0.0.44.dev20260713+nightly
codegen_flags: <defaults>
</compile_context>

<pallas_src>
import functools

import jax
import jax.numpy as jnp
from jax.experimental import pallas as pl
from jax.experimental.pallas import tpu as pltpu
from jax.experimental.pallas import tpu_sc as plsc

B = 8
N = 16384
S = 256
K = 32
C1 = 32
C2 = 64
BIG = 3e38


def _fps_kernel(xyz_ref, init_ref, nx_ref, ny_ref, nz_ref):
    x = xyz_ref[:, 0, :]
    y = xyz_ref[:, 1, :]
    z = xyz_ref[:, 2, :]
    iota_n = jax.lax.broadcasted_iota(jnp.int32, (B, N), 1)
    iota_s = jax.lax.broadcasted_iota(jnp.int32, (B, S), 1)

    def body(i, carry):
        distance, far, ax, ay, az = carry
        sel = iota_n == far
        cx = jnp.sum(jnp.where(sel, x, 0.0), axis=1, keepdims=True)
        cy = jnp.sum(jnp.where(sel, y, 0.0), axis=1, keepdims=True)
        cz = jnp.sum(jnp.where(sel, z, 0.0), axis=1, keepdims=True)
        rec = iota_s == i
        ax = ax + jnp.where(rec, cx, 0.0)
        ay = ay + jnp.where(rec, cy, 0.0)
        az = az + jnp.where(rec, cz, 0.0)
        dx = x - cx
        dy = y - cy
        dz = z - cz
        dist = (dx * dx + dy * dy) + dz * dz
        distance = jnp.where(dist < distance, dist, distance)
        m = jnp.max(distance, axis=1, keepdims=True)
        far = jnp.min(jnp.where(distance == m, iota_n, N), axis=1, keepdims=True)
        return distance, far, ax, ay, az

    dist0 = jnp.full((B, N), 1e10, dtype=jnp.float32)
    zs = jnp.zeros((B, S), dtype=jnp.float32)
    far0 = init_ref[...]
    _, _, ax, ay, az = jax.lax.fori_loop(0, S, body, (dist0, far0, zs, zs, zs))
    nx_ref[...] = ax
    ny_ref[...] = ay
    nz_ref[...] = az


def _run_fps(xyz, init_far):
    out = jax.ShapeDtypeStruct((B, S), jnp.float32)
    return pl.pallas_call(
        _fps_kernel,
        out_shape=(out, out, out),
    )(xyz, init_far)


def _select_kernel(xyz_ref, nx_ref, ny_ref, nz_ref, gi_ref, d_ref):
    x = xyz_ref[:, 0, :]
    y = xyz_ref[:, 1, :]
    z = xyz_ref[:, 2, :]
    nxr = nx_ref[:, 0, :]
    nyr = ny_ref[:, 0, :]
    nzr = nz_ref[:, 0, :]

    io_l = jax.lax.broadcasted_iota(jnp.int32, (K, K), 1)
    io_s = jax.lax.broadcasted_iota(jnp.int32, (K, K), 0)
    t = io_l == io_s
    cx = jnp.sum(jnp.where(t, nxr[:, :K], 0.0), axis=1, keepdims=True)
    cy = jnp.sum(jnp.where(t, nyr[:, :K], 0.0), axis=1, keepdims=True)
    cz = jnp.sum(jnp.where(t, nzr[:, :K], 0.0), axis=1, keepdims=True)

    dx = x - cx
    dy = y - cy
    dz = z - cz
    d_ref[...] = (dx * dx + dy * dy) + dz * dz

    iota_n = jax.lax.broadcasted_iota(jnp.int32, (K, N), 1)
    iota_s = jax.lax.broadcasted_iota(jnp.int32, (K, S), 1)

    def body(s, gi):
        d = d_ref[...]
        m = jnp.min(d, axis=1, keepdims=True)
        idx = jnp.min(jnp.where(d == m, iota_n, N), axis=1, keepdims=True)
        d_ref[...] = jnp.where(iota_n == idx, BIG, d)
        return gi + jnp.where(iota_s == s, idx, 0)

    gi = jax.lax.fori_loop(0, S, body, jnp.zeros((K, S), dtype=jnp.int32))
    gi_ref[...] = gi[None]


def _run_select(xyz, nx, ny, nz):
    nx3 = nx[:, None, :]
    ny3 = ny[:, None, :]
    nz3 = nz[:, None, :]
    return pl.pallas_call(
        _select_kernel,
        grid=(B,),
        in_specs=[
            pl.BlockSpec((1, 3, N), lambda b: (b, 0, 0)),
            pl.BlockSpec((1, 1, S), lambda b: (b, 0, 0)),
            pl.BlockSpec((1, 1, S), lambda b: (b, 0, 0)),
            pl.BlockSpec((1, 1, S), lambda b: (b, 0, 0)),
        ],
        out_specs=pl.BlockSpec((1, K, S), lambda b: (b, 0, 0)),
        out_shape=jax.ShapeDtypeStruct((B, K, S), jnp.int32),
        scratch_shapes=[pltpu.VMEM((K, N), jnp.float32)],
    )(xyz, nx3, ny3, nz3)


M = K * S
PW = 4
CHUNK = M // PW
L = 16


def _sc_gather_kernel(xyz_hbm, idx_hbm, out_hbm, xr_v, yr_v, zr_v, idx_v,
                      ox_v, oy_v, oz_v):
    wid = jax.lax.axis_index("s") * 2 + jax.lax.axis_index("c")
    b = wid // PW
    part = wid % PW
    pltpu.sync_copy(xyz_hbm.at[pl.ds((b * 3 + 0) * N, N)], xr_v)
    pltpu.sync_copy(xyz_hbm.at[pl.ds((b * 3 + 1) * N, N)], yr_v)
    pltpu.sync_copy(xyz_hbm.at[pl.ds((b * 3 + 2) * N, N)], zr_v)
    off = part * CHUNK
    pltpu.sync_copy(idx_hbm.at[pl.ds(b * M + off, CHUNK)], idx_v)

    def body(i, carry):
        iv = idx_v[pl.ds(i * L, L)]
        ox_v[pl.ds(i * L, L)] = plsc.load_gather(xr_v, [iv])
        oy_v[pl.ds(i * L, L)] = plsc.load_gather(yr_v, [iv])
        oz_v[pl.ds(i * L, L)] = plsc.load_gather(zr_v, [iv])
        return carry

    jax.lax.fori_loop(0, CHUNK // L, body, 0)
    pltpu.sync_copy(ox_v, out_hbm.at[pl.ds((b * 3 + 0) * M + off, CHUNK)])
    pltpu.sync_copy(oy_v, out_hbm.at[pl.ds((b * 3 + 1) * M + off, CHUNK)])
    pltpu.sync_copy(oz_v, out_hbm.at[pl.ds((b * 3 + 2) * M + off, CHUNK)])


def _run_sc_gather(xyz, gidx):
    mesh = plsc.VectorSubcoreMesh(core_axis_name="c", subcore_axis_name="s")
    f = functools.partial(
        pl.kernel,
        mesh=mesh,
        compiler_params=pltpu.CompilerParams(needs_layout_passes=False),
        out_type=jax.ShapeDtypeStruct((B * 3 * M,), jnp.float32),
        scratch_types=[
            pltpu.VMEM((N,), jnp.float32),
            pltpu.VMEM((N,), jnp.float32),
            pltpu.VMEM((N,), jnp.float32),
            pltpu.VMEM((CHUNK,), jnp.int32),
            pltpu.VMEM((CHUNK,), jnp.float32),
            pltpu.VMEM((CHUNK,), jnp.float32),
            pltpu.VMEM((CHUNK,), jnp.float32),
        ],
    )(_sc_gather_kernel)
    return f(xyz.reshape(B * 3 * N), gidx.reshape(B * M)).reshape(B, 3, M)




def _mlp_kernel(g_ref, nx_ref, ny_ref, nz_ref, w1_ref, b1_ref, g1_ref,
                be1_ref, w2_ref, b2_ref, g2_ref, be2_ref, out_ref, h1_ref,
                y2_ref):
    w1 = w1_ref[...]
    w2 = w2_ref[...]
    nelem = jnp.float32(B * S * K)
    dot = functools.partial(jnp.dot, preferred_element_type=jnp.float32)

    s1 = jnp.zeros((C1, 1), jnp.float32)
    for b in range(B):
        c3 = jnp.concatenate([nx_ref[b], ny_ref[b], nz_ref[b]], axis=0)
        ctile = jnp.concatenate([c3] * K, axis=1)
        y1 = dot(w1, g_ref[b] - ctile) + b1_ref[...]
        h1_ref[pl.ds(b * C1, C1), :] = y1
        s1 = s1 + jnp.sum(y1, axis=1, keepdims=True)
    mean1 = s1 / nelem
    v1 = jnp.zeros((C1, 1), jnp.float32)
    for b in range(B):
        dev = h1_ref[pl.ds(b * C1, C1), :] - mean1
        v1 = v1 + jnp.sum(dev * dev, axis=1, keepdims=True)
    inv1 = g1_ref[...] / jnp.sqrt(v1 / nelem + 1e-5)

    s2 = jnp.zeros((C2, 1), jnp.float32)
    for b in range(B):
        h1 = jnp.maximum((h1_ref[pl.ds(b * C1, C1), :] - mean1) * inv1
                         + be1_ref[...], 0.0)
        y2 = dot(w2, h1) + b2_ref[...]
        y2_ref[pl.ds(b * C2, C2), :] = y2
        s2 = s2 + jnp.sum(y2, axis=1, keepdims=True)
    mean2 = s2 / nelem
    v2 = jnp.zeros((C2, 1), jnp.float32)
    for b in range(B):
        dev = y2_ref[pl.ds(b * C2, C2), :] - mean2
        v2 = v2 + jnp.sum(dev * dev, axis=1, keepdims=True)
    inv2 = g2_ref[...] / jnp.sqrt(v2 / nelem + 1e-5)

    for b in range(B):
        h2 = jnp.maximum((y2_ref[pl.ds(b * C2, C2), :] - mean2) * inv2
                         + be2_ref[...], 0.0)
        acc = h2[:, 0:S]
        for k in range(1, K):
            acc = jnp.maximum(acc, h2[:, k * S:(k + 1) * S])
        out_ref[b] = acc


def _run_mlp(g, nx, ny, nz, W1, b1, g1, be1, W2, b2, g2, be2):
    col = lambda v: v[:, None]
    return pl.pallas_call(
        _mlp_kernel,
        out_shape=jax.ShapeDtypeStruct((B, C2, S), jnp.float32),
        scratch_shapes=[
            pltpu.VMEM((B * C1, M), jnp.float32),
            pltpu.VMEM((B * C2, M), jnp.float32),
        ],
    )(g, nx[:, None, :], ny[:, None, :], nz[:, None, :], W1, col(b1),
      col(g1), col(be1), W2, col(b2), col(g2), col(be2))


@jax.jit
def kernel(xyz, W1, b1, g1, be1, W2, b2, g2, be2):
    init_far = jax.random.randint(jax.random.key(42), (B,), 0, N,
                                  dtype=jnp.int32)[:, None]
    nx, ny, nz = _run_fps(xyz, init_far)
    gidx = _run_select(xyz, nx, ny, nz)
    g = _run_sc_gather(xyz, gidx)
    features = _run_mlp(g, nx, ny, nz, W1, b1, g1, be1, W2, b2, g2, be2)
    new_xyz = jnp.concatenate([nx[:, None, :], ny[:, None, :], nz[:, None, :]],
                              axis=1)
    return features, new_xyz

# --- scband reference (transcript-rebuilt; emitter-appended) ---
"""Pipeline reference for scband-point-net-set-abstraction-54906861912674 (READ-ONLY COPY).

The authoritative reference and input builder live on the scoring server;
editing this copy changes nothing except your own understanding.
"""

import jax, jax.numpy as jnp
import numpy as np

NPOINT = 256
NSAMPLE = 32


def farthest_point_sample(x, npoint):
    # x: (B, N, 3) -> (B, npoint) int32 indices
    B, N, _ = x.shape
    centroids = jnp.zeros((B, npoint), dtype=jnp.int32)
    distance = jnp.full((B, N), 1e10, dtype=x.dtype)
    farthest = jax.random.randint(jax.random.key(42), (B,), 0, N)
    for i in range(npoint):
        centroids = centroids.at[:, i].set(farthest)
        centroid = x[jnp.arange(B), farthest][:, None, :]  # (B,1,3)
        dist = jnp.sum((x - centroid) ** 2, -1)  # (B,N)
        distance = jnp.where(dist < distance, dist, distance)
        farthest = jnp.argmax(distance, -1)
    return centroids


def index_points(points, idx):
    # points: (B,N,C); idx: (B,S) or (B,S,K)
    B = points.shape[0]
    if idx.ndim == 2:
        return points[jnp.arange(B)[:, None], idx]
    elif idx.ndim == 3:
        return points[jnp.arange(B)[:, None, None], idx]
    else:
        raise ValueError('Unsupported idx dimensions')


def query_ball_point(radius, nsample, xyz, new_xyz):
    # xyz: (B,N,3), new_xyz: (B,S,3) -> (B,S,nsample)
    B, N, _ = xyz.shape
    S = new_xyz.shape[1]
    sqrdists = jnp.sum((xyz[:, :, None, :] - new_xyz[:, None, :, :]) ** 2, axis=3)  # (B,N,S)
    group_idx = jnp.argsort(sqrdists, axis=1)[:, :S, :nsample]
    return group_idx


def conv_bn_relu(x, W, b, gamma, beta):
    # x: (B, C, S, K); 1x1 Conv2d + BatchNorm2d (training-mode batch stats) + ReLU
    y = jnp.einsum('oc,bcsk->bosk', W, x) + b[None, :, None, None]
    mean = jnp.mean(y, axis=(0, 2, 3), keepdims=True)
    var = jnp.var(y, axis=(0, 2, 3), keepdims=True)
    y = (y - mean) / jnp.sqrt(var + 1e-5)
    y = gamma[None, :, None, None] * y + beta[None, :, None, None]
    return jax.nn.relu(y)


def setup_inputs(seed: int = 0) -> dict:
    key = jax.random.key(seed)
    ks = jax.random.split(key, 4)
    xyz = jax.random.normal(ks[0], (8, 3, 16384), dtype=jnp.float32)
    W1 = jax.random.normal(ks[1], (32, 3), dtype=jnp.float32) * 0.1
    b1 = jnp.zeros((32,), dtype=jnp.float32)
    g1 = jnp.ones((32,), dtype=jnp.float32)
    be1 = jnp.zeros((32,), dtype=jnp.float32)
    W2 = jax.random.normal(ks[2], (64, 32), dtype=jnp.float32) * 0.1
    b2 = jnp.zeros((64,), dtype=jnp.float32)
    g2 = jnp.ones((64,), dtype=jnp.float32)
    be2 = jnp.zeros((64,), dtype=jnp.float32)
    return {"xyz": xyz, "W1": W1, "b1": b1, "g1": g1, "be1": be1,
            "W2": W2, "b2": b2, "g2": g2, "be2": be2}


def reference(xyz, W1, b1, g1, be1, W2, b2, g2, be2):
    # xyz: (B, 3, N)
    xyz_trans = jnp.transpose(xyz, (0, 2, 1))  # (B,N,3)
    fps_idx = farthest_point_sample(xyz_trans, NPOINT)  # (B,S)
    new_xyz = index_points(xyz_trans, fps_idx)  # (B,S,3)
    group_idx = query_ball_point(0.4, NSAMPLE, xyz_trans, new_xyz)  # (B,S,K)
    grouped_xyz = index_points(xyz_trans, group_idx)  # (B,S,K,3)
    grouped_xyz = grouped_xyz - new_xyz[:, :, None, :]
    grouped_xyz = jnp.transpose(grouped_xyz, (0, 3, 1, 2))  # (B,3,S,K)
    h = conv_bn_relu(grouped_xyz, W1, b1, g1, be1)
    h = conv_bn_relu(h, W2, b2, g2, be2)
    features = jnp.max(h, axis=-1)  # (B,64,S)
    return (features, jnp.transpose(new_xyz, (0, 2, 1)))

if __name__ == "__main__":
    import jax
    _d = setup_inputs()
    print(jax.jit(kernel)(*tuple(_d.values())))

</pallas_src>

<mosaic_0001>
#map = affine_map<(d0, d1) -> (0)>
module attributes {stable_mosaic.version = 14 : i64} {
  func.func @_sc_gather_kernel(%arg0: i32, %arg1: i32, %arg2: memref<393216xf32, #tpu.memory_space<hbm>>, %arg3: memref<65536xi32, #tpu.memory_space<hbm>>, %arg4: memref<196608xf32, #tpu.memory_space<hbm>>, %arg5: memref<16384xf32, #tpu.memory_space<vmem>>, %arg6: memref<16384xf32, #tpu.memory_space<vmem>>, %arg7: memref<16384xf32, #tpu.memory_space<vmem>>, %arg8: memref<2048xi32, #tpu.memory_space<vmem>>, %arg9: memref<2048xf32, #tpu.memory_space<vmem>>, %arg10: memref<2048xf32, #tpu.memory_space<vmem>>, %arg11: memref<2048xf32, #tpu.memory_space<vmem>>) attributes {dimension_semantics = [#tpu.dimension_semantics<core_parallel>, #tpu.dimension_semantics<subcore_parallel>], iteration_bounds = array<i64: 2, 16>, scalar_prefetch = 0 : i64, scratch_operands = 7 : i64, tpu.core_type = #tpu.core_type<sc_vector_subcore>, window_params = [{transform_indices = #map}, {transform_indices = #map}, {transform_indices = #map}]} {
    %mul3A = arith.constant 2 : i32
    %mul3A_0 = arith.muli %arg1, %mul3A : i32
    %add3A = arith.addi %mul3A_0, %arg0 : i32
    %jit3A = arith.constant 4 : i32
    %div3A = arith.divsi %add3A, %jit3A : i32
    %sign3A = arith.constant 0 : i32
    %sign3A_1 = arith.cmpi sgt, %add3A, %sign3A : i32
    %sign3A_2 = arith.extui %sign3A_1 : i1 to i32
    %sign3A_3 = arith.constant 0 : i32
    %sign3A_4 = arith.cmpi slt, %add3A, %sign3A_3 : i32
    %sign3A_5 = arith.extui %sign3A_4 : i1 to i32
    %sign3A_6 = arith.subi %sign3A_2, %sign3A_5 : i32
    %sign3A_7 = arith.constant 0 : i32
    %sign3A_8 = arith.cmpi sgt, %jit3A, %sign3A_7 : i32
    %sign3A_9 = arith.extui %sign3A_8 : i1 to i32
    %sign3A_10 = arith.constant 0 : i32
    %sign3A_11 = arith.cmpi slt, %jit3A, %sign3A_10 : i32
    %sign3A_12 = arith.extui %sign3A_11 : i1 to i32
    %sign3A_13 = arith.subi %sign3A_9, %sign3A_12 : i32
    %ne3A = arith.cmpi ne, %sign3A_6, %sign3A_13 : i32
    %rem3A = arith.remsi %add3A, %jit3A : i32
    %ne3A_14 = arith.constant 0 : i32
    %ne3A_15 = arith.cmpi ne, %rem3A, %ne3A_14 : i32
    %and3A = arith.andi %ne3A, %ne3A_15 : i1
    %sub3A = arith.constant 1 : i32
    %sub3A_16 = arith.subi %div3A, %sub3A : i32
    %select_n3A = arith.select %and3A, %sub3A_16, %div3A : i32
    %jit3A_17 = arith.constant 4 : i32
    %eq3A = arith.constant 0 : i32
    %eq3A_18 = arith.cmpi eq, %jit3A_17, %eq3A : i32
    %jit3A_19 = arith.constant 1 : i32
    %select_n3A_20 = arith.select %eq3A_18, %jit3A_19, %jit3A_17 : i32
    %rem3A_21 = arith.remsi %add3A, %select_n3A_20 : i32
    %ne3A_22 = arith.constant 0 : i32
    %ne3A_23 = arith.cmpi ne, %rem3A_21, %ne3A_22 : i32
    %lt3A = arith.constant 0 : i32
    %lt3A_24 = arith.cmpi slt, %rem3A_21, %lt3A : i32
    %lt3A_25 = arith.constant 0 : i32
    %lt3A_26 = arith.cmpi slt, %select_n3A_20, %lt3A_25 : i32
    %ne3A_27 = arith.xori %lt3A_24, %lt3A_26 : i1
    %and3A_28 = arith.andi %ne3A_27, %ne3A_23 : i1
    %add3A_29 = arith.addi %rem3A_21, %select_n3A_20 : i32
    %select_n3A_30 = arith.select %and3A_28, %add3A_29, %rem3A_21 : i32
    %mul3A_31 = arith.constant 3 : i32
    %mul3A_32 = arith.muli %select_n3A, %mul3A_31 : i32
    %add3A_33 = arith.constant 0 : i32
    %add3A_34 = arith.addi %mul3A_32, %add3A_33 : i32
    %mul3A_35 = arith.constant 16384 : i32
    %mul3A_36 = arith.muli %add3A_34, %mul3A_35 : i32
    "tpu.region"() ({
      %run_scoped3A = tpu.sem_alloc : memref<!tpu.dma_semaphore, #tpu.memory_space<semaphore_mem>>
      %dma_start3A = tpu.memref_slice %arg2[%mul3A_36] : memref<393216xf32, #tpu.memory_space<hbm>> -> memref<16384xf32, #tpu.memory_space<hbm>>
      %dma_start3A_80 = tpu.memref_slice %arg2[%mul3A_36] : memref<393216xf32, #tpu.memory_space<hbm>> -> memref<16384xf32, #tpu.memory_space<hbm>>
      tpu.enqueue_dma source(%dma_start3A_80 : memref<16384xf32, #tpu.memory_space<hbm>>) target(%arg5 : memref<16384xf32, #tpu.memory_space<vmem>>) target_semaphore(%run_scoped3A : memref<!tpu.dma_semaphore, #tpu.memory_space<semaphore_mem>>)
      %dma_wait3A = tpu.memref_slice %arg2[%mul3A_36] : memref<393216xf32, #tpu.memory_space<hbm>> -> memref<16384xf32, #tpu.memory_space<hbm>>
      %dma_wait3A_81 = tpu.memref_slice %arg2[%mul3A_36] : memref<393216xf32, #tpu.memory_space<hbm>> -> memref<16384xf32, #tpu.memory_space<hbm>>
      tpu.wait_dma2 semaphore(%run_scoped3A : memref<!tpu.dma_semaphore, #tpu.memory_space<semaphore_mem>>) src(%dma_wait3A_81 : memref<16384xf32, #tpu.memory_space<hbm>>) dst(%arg5 : memref<16384xf32, #tpu.memory_space<vmem>>)
      tpu.yield
    }) : () -> ()
    %mul3A_37 = arith.constant 3 : i32
    %mul3A_38 = arith.muli %select_n3A, %mul3A_37 : i32
    %add3A_39 = arith.constant 1 : i32
    %add3A_40 = arith.addi %mul3A_38, %add3A_39 : i32
    %mul3A_41 = arith.constant 16384 : i32
    %mul3A_42 = arith.muli %add3A_40, %mul3A_41 : i32
    "tpu.region"() ({
      %run_scoped3A = tpu.sem_alloc : memref<!tpu.dma_semaphore, #tpu.memory_space<semaphore_mem>>
      %dma_start3A = tpu.memref_slice %arg2[%mul3A_42] : memref<393216xf32, #tpu.memory_space<hbm>> -> memref<16384xf32, #tpu.memory_space<hbm>>
      %dma_start3A_80 = tpu.memref_slice %arg2[%mul3A_42] : memref<393216xf32, #tpu.memory_space<hbm>> -> memref<16384xf32, #tpu.memory_space<hbm>>
      tpu.enqueue_dma source(%dma_start3A_80 : memref<16384xf32, #tpu.memory_space<hbm>>) target(%arg6 : memref<16384xf32, #tpu.memory_space<vmem>>) target_semaphore(%run_scoped3A : memref<!tpu.dma_semaphore, #tpu.memory_space<semaphore_mem>>)
      %dma_wait3A = tpu.memref_slice %arg2[%mul3A_42] : memref<393216xf32, #tpu.memory_space<hbm>> -> memref<16384xf32, #tpu.memory_space<hbm>>
      %dma_wait3A_81 = tpu.memref_slice %arg2[%mul3A_42] : memref<393216xf32, #tpu.memory_space<hbm>> -> memref<16384xf32, #tpu.memory_space<hbm>>
      tpu.wait_dma2 semaphore(%run_scoped3A : memref<!tpu.dma_semaphore, #tpu.memory_space<semaphore_mem>>) src(%dma_wait3A_81 : memref<16384xf32, #tpu.memory_space<hbm>>) dst(%arg6 : memref<16384xf32, #tpu.memory_space<vmem>>)
      tpu.yield
    }) : () -> ()
    %mul3A_43 = arith.constant 3 : i32
    %mul3A_44 = arith.muli %select_n3A, %mul3A_43 : i32
    %add3A_45 = arith.constant 2 : i32
    %add3A_46 = arith.addi %mul3A_44, %add3A_45 : i32
    %mul3A_47 = arith.constant 16384 : i32
    %mul3A_48 = arith.muli %add3A_46, %mul3A_47 : i32
    "tpu.region"() ({
      %run_scoped3A = tpu.sem_alloc : memref<!tpu.dma_semaphore, #tpu.memory_space<semaphore_mem>>
      %dma_start3A = tpu.memref_slice %arg2[%mul3A_48] : memref<393216xf32, #tpu.memory_space<hbm>> -> memref<16384xf32, #tpu.memory_space<hbm>>
      %dma_start3A_80 = tpu.memref_slice %arg2[%mul3A_48] : memref<393216xf32, #tpu.memory_space<hbm>> -> memref<16384xf32, #tpu.memory_space<hbm>>
      tpu.enqueue_dma source(%dma_start3A_80 : memref<16384xf32, #tpu.memory_space<hbm>>) target(%arg7 : memref<16384xf32, #tpu.memory_space<vmem>>) target_semaphore(%run_scoped3A : memref<!tpu.dma_semaphore, #tpu.memory_space<semaphore_mem>>)
      %dma_wait3A = tpu.memref_slice %arg2[%mul3A_48] : memref<393216xf32, #tpu.memory_space<hbm>> -> memref<16384xf32, #tpu.memory_space<hbm>>
      %dma_wait3A_81 = tpu.memref_slice %arg2[%mul3A_48] : memref<393216xf32, #tpu.memory_space<hbm>> -> memref<16384xf32, #tpu.memory_space<hbm>>
      tpu.wait_dma2 semaphore(%run_scoped3A : memref<!tpu.dma_semaphore, #tpu.memory_space<semaphore_mem>>) src(%dma_wait3A_81 : memref<16384xf32, #tpu.memory_space<hbm>>) dst(%arg7 : memref<16384xf32, #tpu.memory_space<vmem>>)
      tpu.yield
    }) : () -> ()
    %mul3A_49 = arith.constant 2048 : i32
    %mul3A_50 = arith.muli %select_n3A_30, %mul3A_49 : i32
    %mul3A_51 = arith.constant 8192 : i32
    %mul3A_52 = arith.muli %select_n3A, %mul3A_51 : i32
    %add3A_53 = arith.addi %mul3A_52, %mul3A_50 : i32
    "tpu.region"() ({
      %run_scoped3A = tpu.sem_alloc : memref<!tpu.dma_semaphore, #tpu.memory_space<semaphore_mem>>
      %dma_start3A = tpu.memref_slice %arg3[%add3A_53] : memref<65536xi32, #tpu.memory_space<hbm>> -> memref<2048xi32, #tpu.memory_space<hbm>>
      %dma_start3A_80 = tpu.memref_slice %arg3[%add3A_53] : memref<65536xi32, #tpu.memory_space<hbm>> -> memref<2048xi32, #tpu.memory_space<hbm>>
      tpu.enqueue_dma source(%dma_start3A_80 : memref<2048xi32, #tpu.memory_space<hbm>>) target(%arg8 : memref<2048xi32, #tpu.memory_space<vmem>>) target_semaphore(%run_scoped3A : memref<!tpu.dma_semaphore, #tpu.memory_space<semaphore_mem>>)
      %dma_wait3A = tpu.memref_slice %arg3[%add3A_53] : memref<65536xi32, #tpu.memory_space<hbm>> -> memref<2048xi32, #tpu.memory_space<hbm>>
      %dma_wait3A_81 = tpu.memref_slice %arg3[%add3A_53] : memref<65536xi32, #tpu.memory_space<hbm>> -> memref<2048xi32, #tpu.memory_space<hbm>>
      tpu.wait_dma2 semaphore(%run_scoped3A : memref<!tpu.dma_semaphore, #tpu.memory_space<semaphore_mem>>) src(%dma_wait3A_81 : memref<2048xi32, #tpu.memory_space<hbm>>) dst(%arg8 : memref<2048xi32, #tpu.memory_space<vmem>>)
      tpu.yield
    }) : () -> ()
    %scan3A = arith.constant 0 : i32
    %scan3A_54 = arith.constant 0 : i32
    %scan3A_55 = arith.constant 128 : i32
    %scan3A_56 = arith.addi %scan3A_54, %scan3A_55 : i32
    %scan3A_57 = arith.constant 1 : i32
    scf.for %scan3A_80 = %scan3A_54 to %scan3A_56 step %scan3A_57  : i32 {
      %mul3A_81 = arith.constant 16 : i32
      %mul3A_82 = arith.muli %scan3A_80, %mul3A_81 : i32
      %get3A = arith.index_cast %mul3A_82 : i32 to index
      %get3A_83 = tpu.vector_load %arg8[%get3A] {strides = array<i32>} : memref<2048xi32, #tpu.memory_space<vmem>>, vector<16xi32>,
      %gather3A = tpu.vector_load_idx %arg5[%get3A_83] : memref<16384xf32, #tpu.memory_space<vmem>>[vector<16xi32>], vector<16xf32>,
      %mul3A_84 = arith.constant 16 : i32
      %mul3A_85 = arith.muli %scan3A_80, %mul3A_84 : i32
      %swap3A = arith.index_cast %mul3A_85 : i32 to index
      %swap3A_86 = tpu.vector_load %arg9[%swap3A] {strides = array<i32>} : memref<2048xf32, #tpu.memory_space<vmem>>, vector<16xf32>,
      tpu.vector_store %arg9[%swap3A], %gather3A {strides = array<i32>} : memref<2048xf32, #tpu.memory_space<vmem>>, vector<16xf32>,
      %gather3A_87 = tpu.vector_load_idx %arg6[%get3A_83] : memref<16384xf32, #tpu.memory_space<vmem>>[vector<16xi32>], vector<16xf32>,
      %mul3A_88 = arith.constant 16 : i32
      %mul3A_89 = arith.muli %scan3A_80, %mul3A_88 : i32
      %swap3A_90 = arith.index_cast %mul3A_89 : i32 to index
      %swap3A_91 = tpu.vector_load %arg10[%swap3A_90] {strides = array<i32>} : memref<2048xf32, #tpu.memory_space<vmem>>, vector<16xf32>,
      tpu.vector_store %arg10[%swap3A_90], %gather3A_87 {strides = array<i32>} : memref<2048xf32, #tpu.memory_space<vmem>>, vector<16xf32>,
      %gather3A_92 = tpu.vector_load_idx %arg7[%get3A_83] : memref<16384xf32, #tpu.memory_space<vmem>>[vector<16xi32>], vector<16xf32>,
      %mul3A_93 = arith.constant 16 : i32
      %mul3A_94 = arith.muli %scan3A_80, %mul3A_93 : i32
      %swap3A_95 = arith.index_cast %mul3A_94 : i32 to index
      %swap3A_96 = tpu.vector_load %arg11[%swap3A_95] {strides = array<i32>} : memref<2048xf32, #tpu.memory_space<vmem>>, vector<16xf32>,
      tpu.vector_store %arg11[%swap3A_95], %gather3A_92 {strides = array<i32>} : memref<2048xf32, #tpu.memory_space<vmem>>, vector<16xf32>,
    }
    %scan3A_58 = arith.constant 128 : i32
    %mul3A_59 = arith.constant 3 : i32
    %mul3A_60 = arith.muli %select_n3A, %mul3A_59 : i32
    %add3A_61 = arith.constant 0 : i32
    %add3A_62 = arith.addi %mul3A_60, %add3A_61 : i32
    %mul3A_63 = arith.constant 8192 : i32
    %mul3A_64 = arith.muli %add3A_62, %mul3A_63 : i32
    %add3A_65 = arith.addi %mul3A_64, %mul3A_50 : i32
    "tpu.region"() ({
      %run_scoped3A = tpu.sem_alloc : memref<!tpu.dma_semaphore, #tpu.memory_space<semaphore_mem>>
      %dma_start3A = tpu.memref_slice %arg4[%add3A_65] : memref<196608xf32, #tpu.memory_space<hbm>> -> memref<2048xf32, #tpu.memory_space<hbm>>
      %dma_start3A_80 = tpu.memref_slice %arg4[%add3A_65] : memref<196608xf32, #tpu.memory_space<hbm>> -> memref<2048xf32, #tpu.memory_space<hbm>>
      tpu.enqueue_dma source(%arg9 : memref<2048xf32, #tpu.memory_space<vmem>>) target(%dma_start3A_80 : memref<2048xf32, #tpu.memory_space<hbm>>) target_semaphore(%run_scoped3A : memref<!tpu.dma_semaphore, #tpu.memory_space<semaphore_mem>>)
      %dma_wait3A = tpu.memref_slice %arg4[%add3A_65] : memref<196608xf32, #tpu.memory_space<hbm>> -> memref<2048xf32, #tpu.memory_space<hbm>>
      %dma_wait3A_81 = tpu.memref_slice %arg4[%add3A_65] : memref<196608xf32, #tpu.memory_space<hbm>> -> memref<2048xf32, #tpu.memory_space<hbm>>
      tpu.wait_dma2 semaphore(%run_scoped3A : memref<!tpu.dma_semaphore, #tpu.memory_space<semaphore_mem>>) src(%arg9 : memref<2048xf32, #tpu.memory_space<vmem>>) dst(%dma_wait3A_81 : memref<2048xf32, #tpu.memory_space<hbm>>)
      tpu.yield
    }) : () -> ()
    %mul3A_66 = arith.constant 3 : i32
    %mul3A_67 = arith.muli %select_n3A, %mul3A_66 : i32
    %add3A_68 = arith.constant 1 : i32
    %add3A_69 = arith.addi %mul3A_67, %add3A_68 : i32
    %mul3A_70 = arith.constant 8192 : i32
    %mul3A_71 = arith.muli %add3A_69, %mul3A_70 : i32
    %add3A_72 = arith.addi %mul3A_71, %mul3A_50 : i32
    "tpu.region"() ({
      %run_scoped3A = tpu.sem_alloc : memref<!tpu.dma_semaphore, #tpu.memory_space<semaphore_mem>>
      %dma_start3A = tpu.memref_slice %arg4[%add3A_72] : memref<196608xf32, #tpu.memory_space<hbm>> -> memref<2048xf32, #tpu.memory_space<hbm>>
      %dma_start3A_80 = tpu.memref_slice %arg4[%add3A_72] : memref<196608xf32, #tpu.memory_space<hbm>> -> memref<2048xf32, #tpu.memory_space<hbm>>
      tpu.enqueue_dma source(%arg10 : memref<2048xf32, #tpu.memory_space<vmem>>) target(%dma_start3A_80 : memref<2048xf32, #tpu.memory_space<hbm>>) target_semaphore(%run_scoped3A : memref<!tpu.dma_semaphore, #tpu.memory_space<semaphore_mem>>)
      %dma_wait3A = tpu.memref_slice %arg4[%add3A_72] : memref<196608xf32, #tpu.memory_space<hbm>> -> memref<2048xf32, #tpu.memory_space<hbm>>
      %dma_wait3A_81 = tpu.memref_slice %arg4[%add3A_72] : memref<196608xf32, #tpu.memory_space<hbm>> -> memref<2048xf32, #tpu.memory_space<hbm>>
      tpu.wait_dma2 semaphore(%run_scoped3A : memref<!tpu.dma_semaphore, #tpu.memory_space<semaphore_mem>>) src(%arg10 : memref<2048xf32, #tpu.memory_space<vmem>>) dst(%dma_wait3A_81 : memref<2048xf32, #tpu.memory_space<hbm>>)
      tpu.yield
    }) : () -> ()
    %mul3A_73 = arith.constant 3 : i32
    %mul3A_74 = arith.muli %select_n3A, %mul3A_73 : i32
    %add3A_75 = arith.constant 2 : i32
    %add3A_76 = arith.addi %mul3A_74, %add3A_75 : i32
    %mul3A_77 = arith.constant 8192 : i32
    %mul3A_78 = arith.muli %add3A_76, %mul3A_77 : i32
    %add3A_79 = arith.addi %mul3A_78, %mul3A_50 : i32
    "tpu.region"() ({
      %run_scoped3A = tpu.sem_alloc : memref<!tpu.dma_semaphore, #tpu.memory_space<semaphore_mem>>
      %dma_start3A = tpu.memref_slice %arg4[%add3A_79] : memref<196608xf32, #tpu.memory_space<hbm>> -> memref<2048xf32, #tpu.memory_space<hbm>>
      %dma_start3A_80 = tpu.memref_slice %arg4[%add3A_79] : memref<196608xf32, #tpu.memory_space<hbm>> -> memref<2048xf32, #tpu.memory_space<hbm>>
      tpu.enqueue_dma source(%arg11 : memref<2048xf32, #tpu.memory_space<vmem>>) target(%dma_start3A_80 : memref<2048xf32, #tpu.memory_space<hbm>>) target_semaphore(%run_scoped3A : memref<!tpu.dma_semaphore, #tpu.memory_space<semaphore_mem>>)
      %dma_wait3A = tpu.memref_slice %arg4[%add3A_79] : memref<196608xf32, #tpu.memory_space<hbm>> -> memref<2048xf32, #tpu.memory_space<hbm>>
      %dma_wait3A_81 = tpu.memref_slice %arg4[%add3A_79] : memref<196608xf32, #tpu.memory_space<hbm>> -> memref<2048xf32, #tpu.memory_space<hbm>>
      tpu.wait_dma2 semaphore(%run_scoped3A : memref<!tpu.dma_semaphore, #tpu.memory_space<semaphore_mem>>) src(%arg11 : memref<2048xf32, #tpu.memory_space<vmem>>) dst(%dma_wait3A_81 : memref<2048xf32, #tpu.memory_space<hbm>>)
      tpu.yield
    }) : () -> ()
    return
  }
}

module attributes {stable_mosaic.version = 14 : i64} {
  func.func @_select_kernel(%arg0: i32, %arg1: memref<1x3x16384xf32, #tpu.memory_space<vmem>>, %arg2: memref<1x1x256xf32, #tpu.memory_space<vmem>>, %arg3: memref<1x1x256xf32, #tpu.memory_space<vmem>>, %arg4: memref<1x1x256xf32, #tpu.memory_space<vmem>>, %arg5: memref<1x32x256xi32, #tpu.memory_space<vmem>>, %arg6: memref<32x16384xf32, #tpu.memory_space<vmem>>) attributes {dimension_semantics = [#tpu.dimension_semantics<arbitrary>], iteration_bounds = array<i64: 8>, scalar_prefetch = 0 : i64, scratch_operands = 1 : i64, tpu.core_type = #tpu.core_type<tc>, window_params = [{transform_indices = @transform_0, window_bounds = array<i64: 1, 3, 16384>}, {transform_indices = @transform_1, window_bounds = array<i64: 1, 1, 256>}, {transform_indices = @transform_2, window_bounds = array<i64: 1, 1, 256>}, {transform_indices = @transform_3, window_bounds = array<i64: 1, 1, 256>}, {transform_indices = @transform_4, window_bounds = array<i64: 1, 32, 256>}]} {
    %get3A = arith.constant 0 : index
    %get3A_0 = arith.constant 0 : index
    %get3A_1 = arith.constant 0 : index
    %get3A_2 = vector.load %arg1[%get3A, %get3A_0, %get3A_1] : memref<1x3x16384xf32, #tpu.memory_space<vmem>>, vector<1x1x16384xf32>
    %get3A_3 = vector.shape_cast %get3A_2 : vector<1x1x16384xf32> to vector<1x16384xf32>
    %get3A_4 = arith.constant 0 : index
    %get3A_5 = arith.constant 1 : index
    %get3A_6 = arith.constant 0 : index
    %get3A_7 = vector.load %arg1[%get3A_4, %get3A_5, %get3A_6] : memref<1x3x16384xf32, #tpu.memory_space<vmem>>, vector<1x1x16384xf32>
    %get3A_8 = vector.shape_cast %get3A_7 : vector<1x1x16384xf32> to vector<1x16384xf32>
    %get3A_9 = arith.constant 0 : index
    %get3A_10 = arith.constant 2 : index
    %get3A_11 = arith.constant 0 : index
    %get3A_12 = vector.load %arg1[%get3A_9, %get3A_10, %get3A_11] : memref<1x3x16384xf32, #tpu.memory_space<vmem>>, vector<1x1x16384xf32>
    %get3A_13 = vector.shape_cast %get3A_12 : vector<1x1x16384xf32> to vector<1x16384xf32>
    %get3A_14 = arith.constant 0 : index
    %get3A_15 = arith.constant 0 : index
    %get3A_16 = arith.constant 0 : index
    %get3A_17 = vector.load %arg2[%get3A_14, %get3A_15, %get3A_16] : memref<1x1x256xf32, #tpu.memory_space<vmem>>, vector<1x1x256xf32>
    %get3A_18 = vector.shape_cast %get3A_17 : vector<1x1x256xf32> to vector<1x256xf32>
    %get3A_19 = arith.constant 0 : index
    %get3A_20 = arith.constant 0 : index
    %get3A_21 = arith.constant 0 : index
    %get3A_22 = vector.load %arg3[%get3A_19, %get3A_20, %get3A_21] : memref<1x1x256xf32, #tpu.memory_space<vmem>>, vector<1x1x256xf32>
    %get3A_23 = vector.shape_cast %get3A_22 : vector<1x1x256xf32> to vector<1x256xf32>
    %get3A_24 = arith.constant 0 : index
    %get3A_25 = arith.constant 0 : index
    %get3A_26 = arith.constant 0 : index
    %get3A_27 = vector.load %arg4[%get3A_24, %get3A_25, %get3A_26] : memref<1x1x256xf32, #tpu.memory_space<vmem>>, vector<1x1x256xf32>
    %get3A_28 = vector.shape_cast %get3A_27 : vector<1x1x256xf32> to vector<1x256xf32>
    %iota3A = tpu.iota {dimensions = array<i32: 1>} : vector<32x32xi32>
    %iota3A_29 = tpu.iota {dimensions = array<i32: 0>} : vector<32x32xi32>
    %eq3A = arith.cmpi eq, %iota3A, %iota3A_29 : vector<32x32xi32>
    %slice3A = vector.extract_strided_slice %get3A_18 {offsets = [0, 0], sizes = [1, 32], strides = [1, 1]} : vector<1x256xf32> to vector<1x32xf32>
    %jit3A = arith.constant 0.000000e+00 : f32
    %broadcast_in_dim3A = vector.shape_cast %slice3A : vector<1x32xf32> to vector<1x32xf32>
    %broadcast_in_dim3A_30 = vector.broadcast %broadcast_in_dim3A : vector<1x32xf32> to vector<32x32xf32>
    %broadcast_in_dim3A_31 = vector.broadcast %jit3A : f32 to vector<32x32xf32>
    %select_n3A = arith.select %eq3A, %broadcast_in_dim3A_30, %broadcast_in_dim3A_31 : vector<32x32xi1>, vector<32x32xf32>
    %reduce_sum3A = arith.constant dense<0.000000e+00> : vector<32xf32>
    %reduce_sum3A_32 = vector.multi_reduction <add>, %select_n3A, %reduce_sum3A [1] : vector<32x32xf32> to vector<32xf32>
    %broadcast_in_dim3A_33 = vector.shape_cast %reduce_sum3A_32 : vector<32xf32> to vector<32x1xf32>
    %slice3A_34 = vector.extract_strided_slice %get3A_23 {offsets = [0, 0], sizes = [1, 32], strides = [1, 1]} : vector<1x256xf32> to vector<1x32xf32>
    %jit3A_35 = arith.constant 0.000000e+00 : f32
    %broadcast_in_dim3A_36 = vector.shape_cast %slice3A_34 : vector<1x32xf32> to vector<1x32xf32>
    %broadcast_in_dim3A_37 = vector.broadcast %broadcast_in_dim3A_36 : vector<1x32xf32> to vector<32x32xf32>
    %broadcast_in_dim3A_38 = vector.broadcast %jit3A_35 : f32 to vector<32x32xf32>
    %select_n3A_39 = arith.select %eq3A, %broadcast_in_dim3A_37, %broadcast_in_dim3A_38 : vector<32x32xi1>, vector<32x32xf32>
    %reduce_sum3A_40 = arith.constant dense<0.000000e+00> : vector<32xf32>
    %reduce_sum3A_41 = vector.multi_reduction <add>, %select_n3A_39, %reduce_sum3A_40 [1] : vector<32x32xf32> to vector<32xf32>
    %broadcast_in_dim3A_42 = vector.shape_cast %reduce_sum3A_41 : vector<32xf32> to vector<32x1xf32>
    %slice3A_43 = vector.extract_strided_slice %get3A_28 {offsets = [0, 0], sizes = [1, 32], strides = [1, 1]} : vector<1x256xf32> to vector<1x32xf32>
    %jit3A_44 = arith.constant 0.000000e+00 : f32
    %broadcast_in_dim3A_45 = vector.shape_cast %slice3A_43 : vector<1x32xf32> to vector<1x32xf32>
    %broadcast_in_dim3A_46 = vector.broadcast %broadcast_in_dim3A_45 : vector<1x32xf32> to vector<32x32xf32>
    %broadcast_in_dim3A_47 = vector.broadcast %jit3A_44 : f32 to vector<32x32xf32>
    %select_n3A_48 = arith.select %eq3A, %broadcast_in_dim3A_46, %broadcast_in_dim3A_47 : vector<32x32xi1>, vector<32x32xf32>
    %reduce_sum3A_49 = arith.constant dense<0.000000e+00> : vector<32xf32>
    %reduce_sum3A_50 = vector.multi_reduction <add>, %select_n3A_48, %reduce_sum3A_49 [1] : vector<32x32xf32> to vector<32xf32>
    %broadcast_in_dim3A_51 = vector.shape_cast %reduce_sum3A_50 : vector<32xf32> to vector<32x1xf32>
    %sub3A = vector.broadcast %get3A_3 : vector<1x16384xf32> to vector<32x16384xf32>
    %sub3A_52 = vector.broadcast %broadcast_in_dim3A_33 : vector<32x1xf32> to vector<32x16384xf32>
    %sub3A_53 = arith.subf %sub3A, %sub3A_52 : vector<32x16384xf32>
    %sub3A_54 = vector.broadcast %get3A_8 : vector<1x16384xf32> to vector<32x16384xf32>
    %sub3A_55 = vector.broadcast %broadcast_in_dim3A_42 : vector<32x1xf32> to vector<32x16384xf32>
    %sub3A_56 = arith.subf %sub3A_54, %sub3A_55 : vector<32x16384xf32>
    %sub3A_57 = vector.broadcast %get3A_13 : vector<1x16384xf32> to vector<32x16384xf32>
    %sub3A_58 = vector.broadcast %broadcast_in_dim3A_51 : vector<32x1xf32> to vector<32x16384xf32>
    %sub3A_59 = arith.subf %sub3A_57, %sub3A_58 : vector<32x16384xf32>
    %mul3A = arith.mulf %sub3A_53, %sub3A_53 : vector<32x16384xf32>
    %mul3A_60 = arith.mulf %sub3A_56, %sub3A_56 : vector<32x16384xf32>
    %add3A = arith.addf %mul3A, %mul3A_60 : vector<32x16384xf32>
    %mul3A_61 = arith.mulf %sub3A_59, %sub3A_59 : vector<32x16384xf32>
    %add3A_62 = arith.addf %add3A, %mul3A_61 : vector<32x16384xf32>
    %swap3A = arith.constant 0 : index
    %swap3A_63 = arith.constant 0 : index
    %swap3A_64 = vector.load %arg6[%swap3A, %swap3A_63] : memref<32x16384xf32, #tpu.memory_space<vmem>>, vector<32x16384xf32>
    tpu.vector_store %arg6[%swap3A, %swap3A_63], %add3A_62 {strides = array<i32>} : memref<32x16384xf32, #tpu.memory_space<vmem>>, vector<32x16384xf32>,
    %iota3A_65 = tpu.iota {dimensions = array<i32: 1>} : vector<32x16384xi32>
    %iota3A_66 = tpu.iota {dimensions = array<i32: 1>} : vector<32x256xi32>
    %broadcast_in_dim3A_67 = arith.constant 0 : i32
    %broadcast_in_dim3A_68 = vector.broadcast %broadcast_in_dim3A_67 : i32 to vector<32x256xi32>
    %scan3A = arith.constant 0 : i32
    %scan3A_69 = arith.constant 256 : i32
    %scan3A_70 = arith.addi %scan3A, %scan3A_69 : i32
    %scan3A_71 = arith.constant 1 : i32
    %scan3A_72 = scf.for %scan3A_79 = %scan3A to %scan3A_70 step %scan3A_71 iter_args(%scan3A_80 = %broadcast_in_dim3A_68) -> (vector<32x256xi32>)  : i32 {
      %get3A_81 = arith.constant 0 : index
      %get3A_82 = arith.constant 0 : index
      %get3A_83 = vector.load %arg6[%get3A_81, %get3A_82] : memref<32x16384xf32, #tpu.memory_space<vmem>>, vector<32x16384xf32>
      %reduce_min3A = arith.constant dense<0x7F800000> : vector<32xf32>
      %reduce_min3A_84 = vector.multi_reduction <minimumf>, %get3A_83, %reduce_min3A [1] : vector<32x16384xf32> to vector<32xf32>
      %broadcast_in_dim3A_85 = vector.shape_cast %reduce_min3A_84 : vector<32xf32> to vector<32x1xf32>
      %eq3A_86 = vector.broadcast %broadcast_in_dim3A_85 : vector<32x1xf32> to vector<32x16384xf32>
      %eq3A_87 = arith.cmpf oeq, %get3A_83, %eq3A_86 : vector<32x16384xf32>
      %jit3A_88 = arith.constant 16384 : i32
      %broadcast_in_dim3A_89 = vector.broadcast %jit3A_88 : i32 to vector<32x16384xi32>
      %select_n3A_90 = arith.select %eq3A_87, %iota3A_65, %broadcast_in_dim3A_89 : vector<32x16384xi1>, vector<32x16384xi32>
      %reduce_min3A_91 = arith.constant dense<2147483647> : vector<32xi32>
      %reduce_min3A_92 = vector.multi_reduction <minsi>, %select_n3A_90, %reduce_min3A_91 [1] : vector<32x16384xi32> to vector<32xi32>
      %broadcast_in_dim3A_93 = vector.shape_cast %reduce_min3A_92 : vector<32xi32> to vector<32x1xi32>
      %eq3A_94 = vector.broadcast %broadcast_in_dim3A_93 : vector<32x1xi32> to vector<32x16384xi32>
      %eq3A_95 = arith.cmpi eq, %iota3A_65, %eq3A_94 : vector<32x16384xi32>
      %jit3A_96 = arith.constant 3.000000e+38 : f32
      %broadcast_in_dim3A_97 = vector.broadcast %jit3A_96 : f32 to vector<32x16384xf32>
      %select_n3A_98 = arith.select %eq3A_95, %broadcast_in_dim3A_97, %get3A_83 : vector<32x16384xi1>, vector<32x16384xf32>
      %swap3A_99 = arith.constant 0 : index
      %swap3A_100 = arith.constant 0 : index
      %swap3A_101 = vector.load %arg6[%swap3A_99, %swap3A_100] : memref<32x16384xf32, #tpu.memory_space<vmem>>, vector<32x16384xf32>
      tpu.vector_store %arg6[%swap3A_99, %swap3A_100], %select_n3A_98 {strides = array<i32>} : memref<32x16384xf32, #tpu.memory_space<vmem>>, vector<32x16384xf32>,
      %eq3A_102 = vector.broadcast %scan3A_79 : i32 to vector<32x256xi32>
      %eq3A_103 = arith.cmpi eq, %iota3A_66, %eq3A_102 : vector<32x256xi32>
      %jit3A_104 = arith.constant 0 : i32
      %broadcast_in_dim3A_105 = vector.shape_cast %broadcast_in_dim3A_93 : vector<32x1xi32> to vector<32x1xi32>
      %broadcast_in_dim3A_106 = vector.broadcast %broadcast_in_dim3A_105 : vector<32x1xi32> to vector<32x256xi32>
      %broadcast_in_dim3A_107 = vector.broadcast %jit3A_104 : i32 to vector<32x256xi32>
      %select_n3A_108 = arith.select %eq3A_103, %broadcast_in_dim3A_106, %broadcast_in_dim3A_107 : vector<32x256xi1>, vector<32x256xi32>
      %add3A_109 = arith.addi %scan3A_80, %select_n3A_108 : vector<32x256xi32>
      scf.yield %add3A_109 : vector<32x256xi32>
    }
    %scan3A_73 = arith.constant 256 : i32
    %broadcast_in_dim3A_74 = vector.shape_cast %scan3A_72 : vector<32x256xi32> to vector<1x32x256xi32>
    %swap3A_75 = arith.constant 0 : index
    %swap3A_76 = arith.constant 0 : index
    %swap3A_77 = arith.constant 0 : index
    %swap3A_78 = vector.load %arg5[%swap3A_75, %swap3A_76, %swap3A_77] : memref<1x32x256xi32, #tpu.memory_space<vmem>>, vector<1x32x256xi32>
    tpu.vector_store %arg5[%swap3A_75, %swap3A_76, %swap3A_77], %broadcast_in_dim3A_74 {strides = array<i32>} : memref<1x32x256xi32, #tpu.memory_space<vmem>>, vector<1x32x256xi32>,
    return
  }
  func.func @transform_0(%arg0: i32) -> (i32, i32, i32) {
    %c0_i32 = arith.constant 0 : i32
    %c0_i32_0 = arith.constant 0 : i32
    %c0_i32_1 = arith.constant 0 : i32
    return %arg0, %c0_i32, %c0_i32_0 : i32, i32, i32
  }
  func.func @transform_1(%arg0: i32) -> (i32, i32, i32) {
    %c0_i32 = arith.constant 0 : i32
    %c0_i32_0 = arith.constant 0 : i32
    %c0_i32_1 = arith.constant 0 : i32
    return %arg0, %c0_i32, %c0_i32_0 : i32, i32, i32
  }
  func.func @transform_2(%arg0: i32) -> (i32, i32, i32) {
    %c0_i32 = arith.constant 0 : i32
    %c0_i32_0 = arith.constant 0 : i32
    %c0_i32_1 = arith.constant 0 : i32
    return %arg0, %c0_i32, %c0_i32_0 : i32, i32, i32
  }
  func.func @transform_3(%arg0: i32) -> (i32, i32, i32) {
    %c0_i32 = arith.constant 0 : i32
    %c0_i32_0 = arith.constant 0 : i32
    %c0_i32_1 = arith.constant 0 : i32
    return %arg0, %c0_i32, %c0_i32_0 : i32, i32, i32
  }
  func.func @transform_4(%arg0: i32) -> (i32, i32, i32) {
    %c0_i32 = arith.constant 0 : i32
    %c0_i32_0 = arith.constant 0 : i32
    %c0_i32_1 = arith.constant 0 : i32
    return %arg0, %c0_i32, %c0_i32_0 : i32, i32, i32
  }
}

module attributes {stable_mosaic.version = 14 : i64} {
  func.func @_fps_kernel(%arg0: memref<8x3x16384xf32, #tpu.memory_space<vmem>>, %arg1: memref<8x1xi32, #tpu.memory_space<vmem>>, %arg2: memref<8x256xf32, #tpu.memory_space<vmem>>, %arg3: memref<8x256xf32, #tpu.memory_space<vmem>>, %arg4: memref<8x256xf32, #tpu.memory_space<vmem>>) attributes {dimension_semantics = [], scalar_prefetch = 0 : i64, scratch_operands = 0 : i64, tpu.core_type = #tpu.core_type<tc>} {
    %get3A = arith.constant 0 : index
    %get3A_0 = arith.constant 0 : index
    %get3A_1 = arith.constant 0 : index
    %get3A_2 = vector.load %arg0[%get3A, %get3A_0, %get3A_1] : memref<8x3x16384xf32, #tpu.memory_space<vmem>>, vector<8x1x16384xf32>
    %get3A_3 = vector.shape_cast %get3A_2 : vector<8x1x16384xf32> to vector<8x16384xf32>
    %get3A_4 = arith.constant 0 : index
    %get3A_5 = arith.constant 1 : index
    %get3A_6 = arith.constant 0 : index
    %get3A_7 = vector.load %arg0[%get3A_4, %get3A_5, %get3A_6] : memref<8x3x16384xf32, #tpu.memory_space<vmem>>, vector<8x1x16384xf32>
    %get3A_8 = vector.shape_cast %get3A_7 : vector<8x1x16384xf32> to vector<8x16384xf32>
    %get3A_9 = arith.constant 0 : index
    %get3A_10 = arith.constant 2 : index
    %get3A_11 = arith.constant 0 : index
    %get3A_12 = vector.load %arg0[%get3A_9, %get3A_10, %get3A_11] : memref<8x3x16384xf32, #tpu.memory_space<vmem>>, vector<8x1x16384xf32>
    %get3A_13 = vector.shape_cast %get3A_12 : vector<8x1x16384xf32> to vector<8x16384xf32>
    %iota3A = tpu.iota {dimensions = array<i32: 1>} : vector<8x16384xi32>
    %iota3A_14 = tpu.iota {dimensions = array<i32: 1>} : vector<8x256xi32>
    %broadcast_in_dim3A = arith.constant 1.000000e+10 : f32
    %broadcast_in_dim3A_15 = vector.broadcast %broadcast_in_dim3A : f32 to vector<8x16384xf32>
    %broadcast_in_dim3A_16 = arith.constant 0.000000e+00 : f32
    %broadcast_in_dim3A_17 = vector.broadcast %broadcast_in_dim3A_16 : f32 to vector<8x256xf32>
    %get3A_18 = arith.constant 0 : index
    %get3A_19 = arith.constant 0 : index
    %get3A_20 = vector.load %arg1[%get3A_18, %get3A_19] : memref<8x1xi32, #tpu.memory_space<vmem>>, vector<8x1xi32>
    %scan3A = arith.constant 0 : i32
    %scan3A_21 = arith.constant 256 : i32
    %scan3A_22 = arith.addi %scan3A, %scan3A_21 : i32
    %scan3A_23 = arith.constant 1 : i32
    %scan3A_24:5 = scf.for %scan3A_34 = %scan3A to %scan3A_22 step %scan3A_23 iter_args(%scan3A_35 = %broadcast_in_dim3A_15, %scan3A_36 = %get3A_20, %scan3A_37 = %broadcast_in_dim3A_17, %scan3A_38 = %broadcast_in_dim3A_17, %scan3A_39 = %broadcast_in_dim3A_17) -> (vector<8x16384xf32>, vector<8x1xi32>, vector<8x256xf32>, vector<8x256xf32>, vector<8x256xf32>)  : i32 {
      %eq3A = vector.broadcast %scan3A_36 : vector<8x1xi32> to vector<8x16384xi32>
      %eq3A_40 = arith.cmpi eq, %iota3A, %eq3A : vector<8x16384xi32>
      %jit3A = arith.constant 0.000000e+00 : f32
      %broadcast_in_dim3A_41 = vector.broadcast %jit3A : f32 to vector<8x16384xf32>
      %select_n3A = arith.select %eq3A_40, %get3A_3, %broadcast_in_dim3A_41 : vector<8x16384xi1>, vector<8x16384xf32>
      %reduce_sum3A = arith.constant dense<0.000000e+00> : vector<8xf32>
      %reduce_sum3A_42 = vector.multi_reduction <add>, %select_n3A, %reduce_sum3A [1] : vector<8x16384xf32> to vector<8xf32>
      %broadcast_in_dim3A_43 = vector.shape_cast %reduce_sum3A_42 : vector<8xf32> to vector<8x1xf32>
      %jit3A_44 = arith.constant 0.000000e+00 : f32
      %broadcast_in_dim3A_45 = vector.broadcast %jit3A_44 : f32 to vector<8x16384xf32>
      %select_n3A_46 = arith.select %eq3A_40, %get3A_8, %broadcast_in_dim3A_45 : vector<8x16384xi1>, vector<8x16384xf32>
      %reduce_sum3A_47 = arith.constant dense<0.000000e+00> : vector<8xf32>
      %reduce_sum3A_48 = vector.multi_reduction <add>, %select_n3A_46, %reduce_sum3A_47 [1] : vector<8x16384xf32> to vector<8xf32>
      %broadcast_in_dim3A_49 = vector.shape_cast %reduce_sum3A_48 : vector<8xf32> to vector<8x1xf32>
      %jit3A_50 = arith.constant 0.000000e+00 : f32
      %broadcast_in_dim3A_51 = vector.broadcast %jit3A_50 : f32 to vector<8x16384xf32>
      %select_n3A_52 = arith.select %eq3A_40, %get3A_13, %broadcast_in_dim3A_51 : vector<8x16384xi1>, vector<8x16384xf32>
      %reduce_sum3A_53 = arith.constant dense<0.000000e+00> : vector<8xf32>
      %reduce_sum3A_54 = vector.multi_reduction <add>, %select_n3A_52, %reduce_sum3A_53 [1] : vector<8x16384xf32> to vector<8xf32>
      %broadcast_in_dim3A_55 = vector.shape_cast %reduce_sum3A_54 : vector<8xf32> to vector<8x1xf32>
      %eq3A_56 = vector.broadcast %scan3A_34 : i32 to vector<8x256xi32>
      %eq3A_57 = arith.cmpi eq, %iota3A_14, %eq3A_56 : vector<8x256xi32>
      %jit3A_58 = arith.constant 0.000000e+00 : f32
      %broadcast_in_dim3A_59 = vector.shape_cast %broadcast_in_dim3A_43 : vector<8x1xf32> to vector<8x1xf32>
      %broadcast_in_dim3A_60 = vector.broadcast %broadcast_in_dim3A_59 : vector<8x1xf32> to vector<8x256xf32>
      %broadcast_in_dim3A_61 = vector.broadcast %jit3A_58 : f32 to vector<8x256xf32>
      %select_n3A_62 = arith.select %eq3A_57, %broadcast_in_dim3A_60, %broadcast_in_dim3A_61 : vector<8x256xi1>, vector<8x256xf32>
      %add3A = arith.addf %scan3A_37, %select_n3A_62 : vector<8x256xf32>
      %jit3A_63 = arith.constant 0.000000e+00 : f32
      %broadcast_in_dim3A_64 = vector.shape_cast %broadcast_in_dim3A_49 : vector<8x1xf32> to vector<8x1xf32>
      %broadcast_in_dim3A_65 = vector.broadcast %broadcast_in_dim3A_64 : vector<8x1xf32> to vector<8x256xf32>
      %broadcast_in_dim3A_66 = vector.broadcast %jit3A_63 : f32 to vector<8x256xf32>
      %select_n3A_67 = arith.select %eq3A_57, %broadcast_in_dim3A_65, %broadcast_in_dim3A_66 : vector<8x256xi1>, vector<8x256xf32>
      %add3A_68 = arith.addf %scan3A_38, %select_n3A_67 : vector<8x256xf32>
      %jit3A_69 = arith.constant 0.000000e+00 : f32
      %broadcast_in_dim3A_70 = vector.shape_cast %broadcast_in_dim3A_55 : vector<8x1xf32> to vector<8x1xf32>
      %broadcast_in_dim3A_71 = vector.broadcast %broadcast_in_dim3A_70 : vector<8x1xf32> to vector<8x256xf32>
      %broadcast_in_dim3A_72 = vector.broadcast %jit3A_69 : f32 to vector<8x256xf32>
      %select_n3A_73 = arith.select %eq3A_57, %broadcast_in_dim3A_71, %broadcast_in_dim3A_72 : vector<8x256xi1>, vector<8x256xf32>
      %add3A_74 = arith.addf %scan3A_39, %select_n3A_73 : vector<8x256xf32>
      %sub3A = vector.broadcast %broadcast_in_dim3A_43 : vector<8x1xf32> to vector<8x16384xf32>
      %sub3A_75 = arith.subf %get3A_3, %sub3A : vector<8x16384xf32>
      %sub3A_76 = vector.broadcast %broadcast_in_dim3A_49 : vector<8x1xf32> to vector<8x16384xf32>
      %sub3A_77 = arith.subf %get3A_8, %sub3A_76 : vector<8x16384xf32>
      %sub3A_78 = vector.broadcast %broadcast_in_dim3A_55 : vector<8x1xf32> to vector<8x16384xf32>
      %sub3A_79 = arith.subf %get3A_13, %sub3A_78 : vector<8x16384xf32>
      %mul3A = arith.mulf %sub3A_75, %sub3A_75 : vector<8x16384xf32>
      %mul3A_80 = arith.mulf %sub3A_77, %sub3A_77 : vector<8x16384xf32>
      %add3A_81 = arith.addf %mul3A, %mul3A_80 : vector<8x16384xf32>
      %mul3A_82 = arith.mulf %sub3A_79, %sub3A_79 : vector<8x16384xf32>
      %add3A_83 = arith.addf %add3A_81, %mul3A_82 : vector<8x16384xf32>
      %lt3A = arith.cmpf olt, %add3A_83, %scan3A_35 : vector<8x16384xf32>
      %select_n3A_84 = arith.select %lt3A, %add3A_83, %scan3A_35 : vector<8x16384xi1>, vector<8x16384xf32>
      %reduce_max3A = arith.constant dense<0xFF800000> : vector<8xf32>
      %reduce_max3A_85 = vector.multi_reduction <maximumf>, %select_n3A_84, %reduce_max3A [1] : vector<8x16384xf32> to vector<8xf32>
      %broadcast_in_dim3A_86 = vector.shape_cast %reduce_max3A_85 : vector<8xf32> to vector<8x1xf32>
      %eq3A_87 = vector.broadcast %broadcast_in_dim3A_86 : vector<8x1xf32> to vector<8x16384xf32>
      %eq3A_88 = arith.cmpf oeq, %select_n3A_84, %eq3A_87 : vector<8x16384xf32>
      %jit3A_89 = arith.constant 16384 : i32
      %broadcast_in_dim3A_90 = vector.broadcast %jit3A_89 : i32 to vector<8x16384xi32>
      %select_n3A_91 = arith.select %eq3A_88, %iota3A, %broadcast_in_dim3A_90 : vector<8x16384xi1>, vector<8x16384xi32>
      %reduce_min3A = arith.constant dense<2147483647> : vector<8xi32>
      %reduce_min3A_92 = vector.multi_reduction <minsi>, %select_n3A_91, %reduce_min3A [1] : vector<8x16384xi32> to vector<8xi32>
      %broadcast_in_dim3A_93 = vector.shape_cast %reduce_min3A_92 : vector<8xi32> to vector<8x1xi32>
      scf.yield %select_n3A_84, %broadcast_in_dim3A_93, %add3A, %add3A_68, %add3A_74 : vector<8x16384xf32>, vector<8x1xi32>, vector<8x256xf32>, vector<8x256xf32>, vector<8x256xf32>
    }
    %scan3A_25 = arith.constant 256 : i32
    %swap3A = arith.constant 0 : index
    %swap3A_26 = arith.constant 0 : index
    %swap3A_27 = vector.load %arg2[%swap3A, %swap3A_26] : memref<8x256xf32, #tpu.memory_space<vmem>>, vector<8x256xf32>
    tpu.vector_store %arg2[%swap3A, %swap3A_26], %scan3A_24#2 {strides = array<i32>} : memref<8x256xf32, #tpu.memory_space<vmem>>, vector<8x256xf32>,
    %swap3A_28 = arith.constant 0 : index
    %swap3A_29 = arith.constant 0 : index
    %swap3A_30 = vector.load %arg3[%swap3A_28, %swap3A_29] : memref<8x256xf32, #tpu.memory_space<vmem>>, vector<8x256xf32>
    tpu.vector_store %arg3[%swap3A_28, %swap3A_29], %scan3A_24#3 {strides = array<i32>} : memref<8x256xf32, #tpu.memory_space<vmem>>, vector<8x256xf32>,
    %swap3A_31 = arith.constant 0 : index
    %swap3A_32 = arith.constant 0 : index
    %swap3A_33 = vector.load %arg4[%swap3A_31, %swap3A_32] : memref<8x256xf32, #tpu.memory_space<vmem>>, vector<8x256xf32>
    tpu.vector_store %arg4[%swap3A_31, %swap3A_32], %scan3A_24#4 {strides = array<i32>} : memref<8x256xf32, #tpu.memory_space<vmem>>, vector<8x256xf32>,
    return
  }
}

module attributes {stable_mosaic.version = 14 : i64} {
  func.func @_mlp_kernel(%arg0: memref<8x3x8192xf32, #tpu.memory_space<vmem>>, %arg1: memref<8x1x256xf32, #tpu.memory_space<vmem>>, %arg2: memref<8x1x256xf32, #tpu.memory_space<vmem>>, %arg3: memref<8x1x256xf32, #tpu.memory_space<vmem>>, %arg4: memref<32x3xf32, #tpu.memory_space<vmem>>, %arg5: memref<32x1xf32, #tpu.memory_space<vmem>>, %arg6: memref<32x1xf32, #tpu.memory_space<vmem>>, %arg7: memref<32x1xf32, #tpu.memory_space<vmem>>, %arg8: memref<64x32xf32, #tpu.memory_space<vmem>>, %arg9: memref<64x1xf32, #tpu.memory_space<vmem>>, %arg10: memref<64x1xf32, #tpu.memory_space<vmem>>, %arg11: memref<64x1xf32, #tpu.memory_space<vmem>>, %arg12: memref<8x64x256xf32, #tpu.memory_space<vmem>>, %arg13: memref<256x8192xf32, #tpu.memory_space<vmem>>, %arg14: memref<512x8192xf32, #tpu.memory_space<vmem>>) attributes {dimension_semantics = [], scalar_prefetch = 0 : i64, scratch_operands = 2 : i64, tpu.core_type = #tpu.core_type<tc>} {
    %get3A = arith.constant 0 : index
    %get3A_0 = arith.constant 0 : index
    %get3A_1 = vector.load %arg4[%get3A, %get3A_0] : memref<32x3xf32, #tpu.memory_space<vmem>>, vector<32x3xf32>
    %get3A_2 = arith.constant 0 : index
    %get3A_3 = arith.constant 0 : index
    %get3A_4 = vector.load %arg8[%get3A_2, %get3A_3] : memref<64x32xf32, #tpu.memory_space<vmem>>, vector<64x32xf32>
    %broadcast_in_dim3A = arith.constant 0.000000e+00 : f32
    %broadcast_in_dim3A_5 = vector.broadcast %broadcast_in_dim3A : f32 to vector<32x1xf32>
    %get3A_6 = arith.constant 0 : index
    %get3A_7 = arith.constant 0 : index
    %get3A_8 = arith.constant 0 : index
    %get3A_9 = vector.load %arg1[%get3A_6, %get3A_7, %get3A_8] : memref<8x1x256xf32, #tpu.memory_space<vmem>>, vector<1x1x256xf32>
    %get3A_10 = vector.shape_cast %get3A_9 : vector<1x1x256xf32> to vector<1x256xf32>
    %get3A_11 = arith.constant 0 : index
    %get3A_12 = arith.constant 0 : index
    %get3A_13 = arith.constant 0 : index
    %get3A_14 = vector.load %arg2[%get3A_11, %get3A_12, %get3A_13] : memref<8x1x256xf32, #tpu.memory_space<vmem>>, vector<1x1x256xf32>
    %get3A_15 = vector.shape_cast %get3A_14 : vector<1x1x256xf32> to vector<1x256xf32>
    %get3A_16 = arith.constant 0 : index
    %get3A_17 = arith.constant 0 : index
    %get3A_18 = arith.constant 0 : index
    %get3A_19 = vector.load %arg3[%get3A_16, %get3A_17, %get3A_18] : memref<8x1x256xf32, #tpu.memory_space<vmem>>, vector<1x1x256xf32>
    %get3A_20 = vector.shape_cast %get3A_19 : vector<1x1x256xf32> to vector<1x256xf32>
    %concatenate3A = tpu.concatenate %get3A_10, %get3A_15, %get3A_20 in 0 : vector<1x256xf32>, vector<1x256xf32>, vector<1x256xf32> -> vector<3x256xf32>
    %concatenate3A_21 = tpu.concatenate %concatenate3A, %concatenate3A, %concatenate3A, %concatenate3A, %concatenate3A, %concatenate3A, %concatenate3A, %concatenate3A, %concatenate3A, %concatenate3A, %concatenate3A, %concatenate3A, %concatenate3A, %concatenate3A, %concatenate3A, %concatenate3A, %concatenate3A, %concatenate3A, %concatenate3A, %concatenate3A, %concatenate3A, %concatenate3A, %concatenate3A, %concatenate3A, %concatenate3A, %concatenate3A, %concatenate3A, %concatenate3A, %concatenate3A, %concatenate3A, %concatenate3A, %concatenate3A in 1 : vector<3x256xf32>, vector<3x256xf32>, vector<3x256xf32>, vector<3x256xf32>, vector<3x256xf32>, vector<3x256xf32>, vector<3x256xf32>, vector<3x256xf32>, vector<3x256xf32>, vector<3x256xf32>, vector<3x256xf32>, vector<3x256xf32>, vector<3x256xf32>, vector<3x256xf32>, vector<3x256xf32>, vector<3x256xf32>, vector<3x256xf32>, vector<3x256xf32>, vector<3x256xf32>, vector<3x256xf32>, vector<3x256xf32>, vector<3x256xf32>, vector<3x256xf32>, vector<3x256xf32>, vector<3x256xf32>, vector<3x256xf32>, vector<3x256xf32>, vector<3x256xf32>, vector<3x256xf32>, vector<3x256xf32>, vector<3x256xf32>, vector<3x256xf32> -> vector<3x8192xf32>
    %get3A_22 = arith.constant 0 : index
    %get3A_23 = arith.constant 0 : index
    %get3A_24 = arith.constant 0 : index
    %get3A_25 = vector.load %arg0[%get3A_22, %get3A_23, %get3A_24] : memref<8x3x8192xf32, #tpu.memory_space<vmem>>, vector<1x3x8192xf32>
    %get3A_26 = vector.shape_cast %get3A_25 : vector<1x3x8192xf32> to vector<3x8192xf32>
    %sub3A = arith.subf %get3A_26, %concatenate3A_21 : vector<3x8192xf32>
    %dot_general3A = arith.constant dense<0.000000e+00> : vector<32x8192xf32>
    %dot_general3A_27 = tpu.matmul %get3A_1, %sub3A, %dot_general3A {dimension_numbers = #tpu.dot_dimension_numbers<[1], [0], [0], [1], [0, 0, 1, 1], [], []>, transpose_lhs_hint = false} : vector<32x3xf32>, vector<3x8192xf32>, vector<32x8192xf32> -> vector<32x8192xf32>
    %get3A_28 = arith.constant 0 : index
    %get3A_29 = arith.constant 0 : index
    %get3A_30 = vector.load %arg5[%get3A_28, %get3A_29] : memref<32x1xf32, #tpu.memory_space<vmem>>, vector<32x1xf32>
    %add3A = vector.broadcast %get3A_30 : vector<32x1xf32> to vector<32x8192xf32>
    %add3A_31 = arith.addf %dot_general3A_27, %add3A : vector<32x8192xf32>
    %swap3A = arith.constant 0 : index
    %swap3A_32 = arith.constant 0 : index
    %swap3A_33 = vector.load %arg13[%swap3A, %swap3A_32] : memref<256x8192xf32, #tpu.memory_space<vmem>>, vector<32x8192xf32>
    tpu.vector_store %arg13[%swap3A, %swap3A_32], %add3A_31 {strides = array<i32>} : memref<256x8192xf32, #tpu.memory_space<vmem>>, vector<32x8192xf32>,
    %reduce_sum3A = arith.constant dense<0.000000e+00> : vector<32xf32>
    %reduce_sum3A_34 = vector.multi_reduction <add>, %add3A_31, %reduce_sum3A [1] : vector<32x8192xf32> to vector<32xf32>
    %broadcast_in_dim3A_35 = vector.shape_cast %reduce_sum3A_34 : vector<32xf32> to vector<32x1xf32>
    %add3A_36 = arith.addf %broadcast_in_dim3A_5, %broadcast_in_dim3A_35 : vector<32x1xf32>
    %get3A_37 = arith.constant 1 : index
    %get3A_38 = arith.constant 0 : index
    %get3A_39 = arith.constant 0 : index
    %get3A_40 = vector.load %arg1[%get3A_37, %get3A_38, %get3A_39] : memref<8x1x256xf32, #tpu.memory_space<vmem>>, vector<1x1x256xf32>
    %get3A_41 = vector.shape_cast %get3A_40 : vector<1x1x256xf32> to vector<1x256xf32>
    %get3A_42 = arith.constant 1 : index
    %get3A_43 = arith.constant 0 : index
    %get3A_44 = arith.constant 0 : index
    %get3A_45 = vector.load %arg2[%get3A_42, %get3A_43, %get3A_44] : memref<8x1x256xf32, #tpu.memory_space<vmem>>, vector<1x1x256xf32>
    %get3A_46 = vector.shape_cast %get3A_45 : vector<1x1x256xf32> to vector<1x256xf32>
    %get3A_47 = arith.constant 1 : index
    %get3A_48 = arith.constant 0 : index
    %get3A_49 = arith.constant 0 : index
    %get3A_50 = vector.load %arg3[%get3A_47, %get3A_48, %get3A_49] : memref<8x1x256xf32, #tpu.memory_space<vmem>>, vector<1x1x256xf32>
    %get3A_51 = vector.shape_cast %get3A_50 : vector<1x1x256xf32> to vector<1x256xf32>
    %concatenate3A_52 = tpu.concatenate %get3A_41, %get3A_46, %get3A_51 in 0 : vector<1x256xf32>, vector<1x256xf32>, vector<1x256xf32> -> vector<3x256xf32>
    %concatenate3A_53 = tpu.concatenate %concatenate3A_52, %concatenate3A_52, %concatenate3A_52, %concatenate3A_52, %concatenate3A_52, %concatenate3A_52, %concatenate3A_52, %concatenate3A_52, %concatenate3A_52, %concatenate3A_52, %concatenate3A_52, %concatenate3A_52, %concatenate3A_52, %concatenate3A_52, %concatenate3A_52, %concatenate3A_52, %concatenate3A_52, %concatenate3A_52, %concatenate3A_52, %concatenate3A_52, %concatenate3A_52, %concatenate3A_52, %concatenate3A_52, %concatenate3A_52, %concatenate3A_52, %concatenate3A_52, %concatenate3A_52, %concatenate3A_52, %concatenate3A_52, %concatenate3A_52, %concatenate3A_52, %concatenate3A_52 in 1 : vector<3x256xf32>, vector<3x256xf32>, vector<3x256xf32>, vector<3x256xf32>, vector<3x256xf32>, vector<3x256xf32>, vector<3x256xf32>, vector<3x256xf32>, vector<3x256xf32>, vector<3x256xf32>, vector<3x256xf32>, vector<3x256xf32>, vector<3x256xf32>, vector<3x256xf32>, vector<3x256xf32>, vector<3x256xf32>, vector<3x256xf32>, vector<3x256xf32>, vector<3x256xf32>, vector<3x256xf32>, vector<3x256xf32>, vector<3x256xf32>, vector<3x256xf32>, vector<3x256xf32>, vector<3x256xf32>, vector<3x256xf32>, vector<3x256xf32>, vector<3x256xf32>, vector<3x256xf32>, vector<3x256xf32>, vector<3x256xf32>, vector<3x256xf32> -> vector<3x8192xf32>
    %get3A_54 = arith.constant 1 : index
    %get3A_55 = arith.constant 0 : index
    %get3A_56 = arith.constant 0 : index
    %get3A_57 = vector.load %arg0[%get3A_54, %get3A_55, %get3A_56] : memref<8x3x8192xf32, #tpu.memory_space<vmem>>, vector<1x3x8192xf32>
    %get3A_58 = vector.shape_cast %get3A_57 : vector<1x3x8192xf32> to vector<3x8192xf32>
    %sub3A_59 = arith.subf %get3A_58, %concatenate3A_53 : vector<3x8192xf32>
    %dot_general3A_60 = arith.constant dense<0.000000e+00> : vector<32x8192xf32>
    %dot_general3A_61 = tpu.matmul %get3A_1, %sub3A_59, %dot_general3A_60 {dimension_numbers = #tpu.dot_dimension_numbers<[1], [0], [0], [1], [0, 0, 1, 1], [], []>, transpose_lhs_hint = false} : vector<32x3xf32>, vector<3x8192xf32>, vector<32x8192xf32> -> vector<32x8192xf32>
    %get3A_62 = arith.constant 0 : index
    %get3A_63 = arith.constant 0 : index
    %get3A_64 = vector.load %arg5[%get3A_62, %get3A_63] : memref<32x1xf32, #tpu.memory_space<vmem>>, vector<32x1xf32>
    %add3A_65 = vector.broadcast %get3A_64 : vector<32x1xf32> to vector<32x8192xf32>
    %add3A_66 = arith.addf %dot_general3A_61, %add3A_65 : vector<32x8192xf32>
    %swap3A_67 = arith.constant 32 : index
    %swap3A_68 = arith.constant 0 : index
    %swap3A_69 = vector.load %arg13[%swap3A_67, %swap3A_68] : memref<256x8192xf32, #tpu.memory_space<vmem>>, vector<32x8192xf32>
    tpu.vector_store %arg13[%swap3A_67, %swap3A_68], %add3A_66 {strides = array<i32>} : memref<256x8192xf32, #tpu.memory_space<vmem>>, vector<32x8192xf32>,
    %reduce_sum3A_70 = arith.constant dense<0.000000e+00> : vector<32xf32>
    %reduce_sum3A_71 = vector.multi_reduction <add>, %add3A_66, %reduce_sum3A_70 [1] : vector<32x8192xf32> to vector<32xf32>
    %broadcast_in_dim3A_72 = vector.shape_cast %reduce_sum3A_71 : vector<32xf32> to vector<32x1xf32>
    %add3A_73 = arith.addf %add3A_36, %broadcast_in_dim3A_72 : vector<32x1xf32>
    %get3A_74 = arith.constant 2 : index
    %get3A_75 = arith.constant 0 : index
    %get3A_76 = arith.constant 0 : index
    %get3A_77 = vector.load %arg1[%get3A_74, %get3A_75, %get3A_76] : memref<8x1x256xf32, #tpu.memory_space<vmem>>, vector<1x1x256xf32>
    %get3A_78 = vector.shape_cast %get3A_77 : vector<1x1x256xf32> to vector<1x256xf32>
    %get3A_79 = arith.constant 2 : index
    %get3A_80 = arith.constant 0 : index
    %get3A_81 = arith.constant 0 : index
    %get3A_82 = vector.load %arg2[%get3A_79, %get3A_80, %get3A_81] : memref<8x1x256xf32, #tpu.memory_space<vmem>>, vector<1x1x256xf32>
    %get3A_83 = vector.shape_cast %get3A_82 : vector<1x1x256xf32> to vector<1x256xf32>
    %get3A_84 = arith.constant 2 : index
    %get3A_85 = arith.constant 0 : index
    %get3A_86 = arith.constant 0 : index
    %get3A_87 = vector.load %arg3[%get3A_84, %get3A_85, %get3A_86] : memref<8x1x256xf32, #tpu.memory_space<vmem>>, vector<1x1x256xf32>
    %get3A_88 = vector.shape_cast %get3A_87 : vector<1x1x256xf32> to vector<1x256xf32>
    %concatenate3A_89 = tpu.concatenate %get3A_78, %get3A_83, %get3A_88 in 0 : vector<1x256xf32>, vector<1x256xf32>, vector<1x256xf32> -> vector<3x256xf32>
    %concatenate3A_90 = tpu.concatenate %concatenate3A_89, %concatenate3A_89, %concatenate3A_89, %concatenate3A_89, %concatenate3A_89, %concatenate3A_89, %concatenate3A_89, %concatenate3A_89, %concatenate3A_89, %concatenate3A_89, %concatenate3A_89, %concatenate3A_89, %concatenate3A_89, %concatenate3A_89, %concatenate3A_89, %concatenate3A_89, %concatenate3A_89, %concatenate3A_89, %concatenate3A_89, %concatenate3A_89, %concatenate3A_89, %concatenate3A_89, %concatenate3A_89, %concatenate3A_89, %concatenate3A_89, %concatenate3A_89, %concatenate3A_89, %concatenate3A_89, %concatenate3A_89, %concatenate3A_89, %concatenate3A_89, %concatenate3A_89 in 1 : vector<3x256xf32>, vector<3x256xf32>, vector<3x256xf32>, vector<3x256xf32>, vector<3x256xf32>, vector<3x256xf32>, vector<3x256xf32>, vector<3x256xf32>, vector<3x256xf32>, vector<3x256xf32>, vector<3x256xf32>, vector<3x256xf32>, vector<3x256xf32>, vector<3x256xf32>, vector<3x256xf32>, vector<3x256xf32>, vector<3x256xf32>, vector<3x256xf32>, vector<3x256xf32>, vector<3x256xf32>, vector<3x256xf32>, vector<3x256xf32>, vector<3x256xf32>, vector<3x256xf32>, vector<3x256xf32>, vector<3x256xf32>, vector<3x256xf32>, vector<3x256xf32>, vector<3x256xf32>, vector<3x256xf32>, vector<3x256xf32>, vector<3x256xf32> -> vector<3x8192xf32>
    %get3A_91 = arith.constant 2 : index
    %get3A_92 = arith.constant 0 : index
    %get3A_93 = arith.constant 0 : index
    %get3A_94 = vector.load %arg0[%get3A_91, %get3A_92, %get3A_93] : memref<8x3x8192xf32, #tpu.memory_space<vmem>>, vector<1x3x8192xf32>
    %get3A_95 = vector.shape_cast %get3A_94 : vector<1x3x8192xf32> to vector<3x8192xf32>
    %sub3A_96 = arith.subf %get3A_95, %concatenate3A_90 : vector<3x8192xf32>
    %dot_general3A_97 = arith.constant dense<0.000000e+00> : vector<32x8192xf32>
    %dot_general3A_98 = tpu.matmul %get3A_1, %sub3A_96, %dot_general3A_97 {dimension_numbers = #tpu.dot_dimension_numbers<[1], [0], [0], [1], [0, 0, 1, 1], [], []>, transpose_lhs_hint = false} : vector<32x3xf32>, vector<3x8192xf32>, vector<32x8192xf32> -> vector<32x8192xf32>
    %get3A_99 = arith.constant 0 : index
    %get3A_100 = arith.constant 0 : index
    %get3A_101 = vector.load %arg5[%get3A_99, %get3A_100] : memref<32x1xf32, #tpu.memory_space<vmem>>, vector<32x1xf32>
    %add3A_102 = vector.broadcast %get3A_101 : vector<32x1xf32> to vector<32x8192xf32>
    %add3A_103 = arith.addf %dot_general3A_98, %add3A_102 : vector<32x8192xf32>
    %swap3A_104 = arith.constant 64 : index
    %swap3A_105 = arith.constant 0 : index
    %swap3A_106 = vector.load %arg13[%swap3A_104, %swap3A_105] : memref<256x8192xf32, #tpu.memory_space<vmem>>, vector<32x8192xf32>
    tpu.vector_store %arg13[%swap3A_104, %swap3A_105], %add3A_103 {strides = array<i32>} : memref<256x8192xf32, #tpu.memory_space<vmem>>, vector<32x8192xf32>,
    %reduce_sum3A_107 = arith.constant dense<0.000000e+00> : vector<32xf32>
    %reduce_sum3A_108 = vector.multi_reduction <add>, %add3A_103, %reduce_sum3A_107 [1] : vector<32x8192xf32> to vector<32xf32>
    %broadcast_in_dim3A_109 = vector.shape_cast %reduce_sum3A_108 : vector<32xf32> to vector<32x1xf32>
    %add3A_110 = arith.addf %add3A_73, %broadcast_in_dim3A_109 : vector<32x1xf32>
    %get3A_111 = arith.constant 3 : index
    %get3A_112 = arith.constant 0 : index
    %get3A_113 = arith.constant 0 : index
    %get3A_114 = vector.load %arg1[%get3A_111, %get3A_112, %get3A_113] : memref<8x1x256xf32, #tpu.memory_space<vmem>>, vector<1x1x256xf32>
    %get3A_115 = vector.shape_cast %get3A_114 : vector<1x1x256xf32> to vector<1x256xf32>
    %get3A_116 = arith.constant 3 : index
    %get3A_117 = arith.constant 0 : index
    %get3A_118 = arith.constant 0 : index
    %get3A_119 = vector.load %arg2[%get3A_116, %get3A_117, %get3A_118] : memref<8x1x256xf32, #tpu.memory_space<vmem>>, vector<1x1x256xf32>
    %get3A_120 = vector.shape_cast %get3A_119 : vector<1x1x256xf32> to vector<1x256xf32>
    %get3A_121 = arith.constant 3 : index
    %get3A_122 = arith.constant 0 : index
    %get3A_123 = arith.constant 0 : index
    %get3A_124 = vector.load %arg3[%get3A_121, %get3A_122, %get3A_123] : memref<8x1x256xf32, #tpu.memory_space<vmem>>, vector<1x1x256xf32>
    %get3A_125 = vector.shape_cast %get3A_124 : vector<1x1x256xf32> to vector<1x256xf32>
    %concatenate3A_126 = tpu.concatenate %get3A_115, %get3A_120, %get3A_125 in 0 : vector<1x256xf32>, vector<1x256xf32>, vector<1x256xf32> -> vector<3x256xf32>
    %concatenate3A_127 = tpu.concatenate %concatenate3A_126, %concatenate3A_126, %concatenate3A_126, %concatenate3A_126, %concatenate3A_126, %concatenate3A_126, %concatenate3A_126, %concatenate3A_126, %concatenate3A_126, %concatenate3A_126, %concatenate3A_126, %concatenate3A_126, %concatenate3A_126, %concatenate3A_126, %concatenate3A_126, %concatenate3A_126, %concatenate3A_126, %concatenate3A_126, %concatenate3A_126, %concatenate3A_126, %concatenate3A_126, %concatenate3A_126, %concatenate3A_126, %concatenate3A_126, %concatenate3A_126, %concatenate3A_126, %concatenate3A_126, %concatenate3A_126, %concatenate3A_126, %concatenate3A_126, %concatenate3A_126, %concatenate3A_126 in 1 : vector<3x256xf32>, vector<3x256xf32>, vector<3x256xf32>, vector<3x256xf32>, vector<3x256xf32>, vector<3x256xf32>, vector<3x256xf32>, vector<3x256xf32>, vector<3x256xf32>, vector<3x256xf32>, vector<3x256xf32>, vector<3x256xf32>, vector<3x256xf32>, vector<3x256xf32>, vector<3x256xf32>, vector<3x256xf32>, vector<3x256xf32>, vector<3x256xf32>, vector<3x256xf32>, vector<3x256xf32>, vector<3x256xf32>, vector<3x256xf32>, vector<3x256xf32>, vector<3x256xf32>, vector<3x256xf32>, vector<3x256xf32>, vector<3x256xf32>, vector<3x256xf32>, vector<3x256xf32>, vector<3x256xf32>, vector<3x256xf32>, vector<3x256xf32> -> vector<3x8192xf32>
    %get3A_128 = arith.constant 3 : index
    %get3A_129 = arith.constant 0 : index
    %get3A_130 = arith.constant 0 : index
    %get3A_131 = vector.load %arg0[%get3A_128, %get3A_129, %get3A_130] : memref<8x3x8192xf32, #tpu.memory_space<vmem>>, vector<1x3x8192xf32>
    %get3A_132 = vector.shape_cast %get3A_131 : vector<1x3x8192xf32> to vector<3x8192xf32>
    %sub3A_133 = arith.subf %get3A_132, %concatenate3A_127 : vector<3x8192xf32>
    %dot_general3A_134 = arith.constant dense<0.000000e+00> : vector<32x8192xf32>
    %dot_general3A_135 = tpu.matmul %get3A_1, %sub3A_133, %dot_general3A_134 {dimension_numbers = #tpu.dot_dimension_numbers<[1], [0], [0], [1], [0, 0, 1, 1], [], []>, transpose_lhs_hint = false} : vector<32x3xf32>, vector<3x8192xf32>, vector<32x8192xf32> -> vector<32x8192xf32>
    %get3A_136 = arith.constant 0 : index
    %get3A_137 = arith.constant 0 : index
    %get3A_138 = vector.load %arg5[%get3A_136, %get3A_137] : memref<32x1xf32, #tpu.memory_space<vmem>>, vector<32x1xf32>
    %add3A_139 = vector.broadcast %get3A_138 : vector<32x1xf32> to vector<32x8192xf32>
    %add3A_140 = arith.addf %dot_general3A_135, %add3A_139 : vector<32x8192xf32>
    %swap3A_141 = arith.constant 96 : index
    %swap3A_142 = arith.constant 0 : index
    %swap3A_143 = vector.load %arg13[%swap3A_141, %swap3A_142] : memref<256x8192xf32, #tpu.memory_space<vmem>>, vector<32x8192xf32>
    tpu.vector_store %arg13[%swap3A_141, %swap3A_142], %add3A_140 {strides = array<i32>} : memref<256x8192xf32, #tpu.memory_space<vmem>>, vector<32x8192xf32>,
    %reduce_sum3A_144 = arith.constant dense<0.000000e+00> : vector<32xf32>
    %reduce_sum3A_145 = vector.multi_reduction <add>, %add3A_140, %reduce_sum3A_144 [1] : vector<32x8192xf32> to vector<32xf32>
    %broadcast_in_dim3A_146 = vector.shape_cast %reduce_sum3A_145 : vector<32xf32> to vector<32x1xf32>
    %add3A_147 = arith.addf %add3A_110, %broadcast_in_dim3A_146 : vector<32x1xf32>
    %get3A_148 = arith.constant 4 : index
    %get3A_149 = arith.constant 0 : index
    %get3A_150 = arith.constant 0 : index
    %get3A_151 = vector.load %arg1[%get3A_148, %get3A_149, %get3A_150] : memref<8x1x256xf32, #tpu.memory_space<vmem>>, vector<1x1x256xf32>
    %get3A_152 = vector.shape_cast %get3A_151 : vector<1x1x256xf32> to vector<1x256xf32>
    %get3A_153 = arith.constant 4 : index
    %get3A_154 = arith.constant 0 : index
    %get3A_155 = arith.constant 0 : index
    %get3A_156 = vector.load %arg2[%get3A_153, %get3A_154, %get3A_155] : memref<8x1x256xf32, #tpu.memory_space<vmem>>, vector<1x1x256xf32>
    %get3A_157 = vector.shape_cast %get3A_156 : vector<1x1x256xf32> to vector<1x256xf32>
    %get3A_158 = arith.constant 4 : index
    %get3A_159 = arith.constant 0 : index
    %get3A_160 = arith.constant 0 : index
    %get3A_161 = vector.load %arg3[%get3A_158, %get3A_159, %get3A_160] : memref<8x1x256xf32, #tpu.memory_space<vmem>>, vector<1x1x256xf32>
    %get3A_162 = vector.shape_cast %get3A_161 : vector<1x1x256xf32> to vector<1x256xf32>
    %concatenate3A_163 = tpu.concatenate %get3A_152, %get3A_157, %get3A_162 in 0 : vector<1x256xf32>, vector<1x256xf32>, vector<1x256xf32> -> vector<3x256xf32>
    %concatenate3A_164 = tpu.concatenate %concatenate3A_163, %concatenate3A_163, %concatenate3A_163, %concatenate3A_163, %concatenate3A_163, %concatenate3A_163, %concatenate3A_163, %concatenate3A_163, %concatenate3A_163, %concatenate3A_163, %concatenate3A_163, %concatenate3A_163, %concatenate3A_163, %concatenate3A_163, %concatenate3A_163, %concatenate3A_163, %concatenate3A_163, %concatenate3A_163, %concatenate3A_163, %concatenate3A_163, %concatenate3A_163, %concatenate3A_163, %concatenate3A_163, %concatenate3A_163, %concatenate3A_163, %concatenate3A_163, %concatenate3A_163, %concatenate3A_163, %concatenate3A_163, %concatenate3A_163, %concatenate3A_163, %concatenate3A_163 in 1 : vector<3x256xf32>, vector<3x256xf32>, vector<3x256xf32>, vector<3x256xf32>, vector<3x256xf32>, vector<3x256xf32>, vector<3x256xf32>, vector<3x256xf32>, vector<3x256xf32>, vector<3x256xf32>, vector<3x256xf32>, vector<3x256xf32>, vector<3x256xf32>, vector<3x256xf32>, vector<3x256xf32>, vector<3x256xf32>, vector<3x256xf32>, vector<3x256xf32>, vector<3x256xf32>, vector<3x256xf32>, vector<3x256xf32>, vector<3x256xf32>, vector<3x256xf32>, vector<3x256xf32>, vector<3x256xf32>, vector<3x256xf32>, vector<3x256xf32>, vector<3x256xf32>, vector<3x256xf32>, vector<3x256xf32>, vector<3x256xf32>, vector<3x256xf32> -> vector<3x8192xf32>
    %get3A_165 = arith.constant 4 : index
    %get3A_166 = arith.constant 0 : index
    %get3A_167 = arith.constant 0 : index
    %get3A_168 = vector.load %arg0[%get3A_165, %get3A_166, %get3A_167] : memref<8x3x8192xf32, #tpu.memory_space<vmem>>, vector<1x3x8192xf32>
    %get3A_169 = vector.shape_cast %get3A_168 : vector<1x3x8192xf32> to vector<3x8192xf32>
    %sub3A_170 = arith.subf %get3A_169, %concatenate3A_164 : vector<3x8192xf32>
    %dot_general3A_171 = arith.constant dense<0.000000e+00> : vector<32x8192xf32>
    %dot_general3A_172 = tpu.matmul %get3A_1, %sub3A_170, %dot_general3A_171 {dimension_numbers = #tpu.dot_dimension_numbers<[1], [0], [0], [1], [0, 0, 1, 1], [], []>, transpose_lhs_hint = false} : vector<32x3xf32>, vector<3x8192xf32>, vector<32x8192xf32> -> vector<32x8192xf32>
    %get3A_173 = arith.constant 0 : index
    %get3A_174 = arith.constant 0 : index
    %get3A_175 = vector.load %arg5[%get3A_173, %get3A_174] : memref<32x1xf32, #tpu.memory_space<vmem>>, vector<32x1xf32>
    %add3A_176 = vector.broadcast %get3A_175 : vector<32x1xf32> to vector<32x8192xf32>
    %add3A_177 = arith.addf %dot_general3A_172, %add3A_176 : vector<32x8192xf32>
    %swap3A_178 = arith.constant 128 : index
    %swap3A_179 = arith.constant 0 : index
    %swap3A_180 = vector.load %arg13[%swap3A_178, %swap3A_179] : memref<256x8192xf32, #tpu.memory_space<vmem>>, vector<32x8192xf32>
    tpu.vector_store %arg13[%swap3A_178, %swap3A_179], %add3A_177 {strides = array<i32>} : memref<256x8192xf32, #tpu.memory_space<vmem>>, vector<32x8192xf32>,
    %reduce_sum3A_181 = arith.constant dense<0.000000e+00> : vector<32xf32>
    %reduce_sum3A_182 = vector.multi_reduction <add>, %add3A_177, %reduce_sum3A_181 [1] : vector<32x8192xf32> to vector<32xf32>
    %broadcast_in_dim3A_183 = vector.shape_cast %reduce_sum3A_182 : vector<32xf32> to vector<32x1xf32>
    %add3A_184 = arith.addf %add3A_147, %broadcast_in_dim3A_183 : vector<32x1xf32>
    %get3A_185 = arith.constant 5 : index
    %get3A_186 = arith.constant 0 : index
    %get3A_187 = arith.constant 0 : index
    %get3A_188 = vector.load %arg1[%get3A_185, %get3A_186, %get3A_187] : memref<8x1x256xf32, #tpu.memory_space<vmem>>, vector<1x1x256xf32>
    %get3A_189 = vector.shape_cast %get3A_188 : vector<1x1x256xf32> to vector<1x256xf32>
    %get3A_190 = arith.constant 5 : index
    %get3A_191 = arith.constant 0 : index
    %get3A_192 = arith.constant 0 : index
    %get3A_193 = vector.load %arg2[%get3A_190, %get3A_191, %get3A_192] : memref<8x1x256xf32, #tpu.memory_space<vmem>>, vector<1x1x256xf32>
    %get3A_194 = vector.shape_cast %get3A_193 : vector<1x1x256xf32> to vector<1x256xf32>
    %get3A_195 = arith.constant 5 : index
    %get3A_196 = arith.constant 0 : index
    %get3A_197 = arith.constant 0 : index
    %get3A_198 = vector.load %arg3[%get3A_195, %get3A_196, %get3A_197] : memref<8x1x256xf32, #tpu.memory_space<vmem>>, vector<1x1x256xf32>
    %get3A_199 = vector.shape_cast %get3A_198 : vector<1x1x256xf32> to vector<1x256xf32>
    %concatenate3A_200 = tpu.concatenate %get3A_189, %get3A_194, %get3A_199 in 0 : vector<1x256xf32>, vector<1x256xf32>, vector<1x256xf32> -> vector<3x256xf32>
    %concatenate3A_201 = tpu.concatenate %concatenate3A_200, %concatenate3A_200, %concatenate3A_200, %concatenate3A_200, %concatenate3A_200, %concatenate3A_200, %concatenate3A_200, %concatenate3A_200, %concatenate3A_200, %concatenate3A_200, %concatenate3A_200, %concatenate3A_200, %concatenate3A_200, %concatenate3A_200, %concatenate3A_200, %concatenate3A_200, %concatenate3A_200, %concatenate3A_200, %concatenate3A_200, %concatenate3A_200, %concatenate3A_200, %concatenate3A_200, %concatenate3A_200, %concatenate3A_200, %concatenate3A_200, %concatenate3A_200, %concatenate3A_200, %concatenate3A_200, %concatenate3A_200, %concatenate3A_200, %concatenate3A_200, %concatenate3A_200 in 1 : vector<3x256xf32>, vector<3x256xf32>, vector<3x256xf32>, vector<3x256xf32>, vector<3x256xf32>, vector<3x256xf32>, vector<3x256xf32>, vector<3x256xf32>, vector<3x256xf32>, vector<3x256xf32>, vector<3x256xf32>, vector<3x256xf32>, vector<3x256xf32>, vector<3x256xf32>, vector<3x256xf32>, vector<3x256xf32>, vector<3x256xf32>, vector<3x256xf32>, vector<3x256xf32>, vector<3x256xf32>, vector<3x256xf32>, vector<3x256xf32>, vector<3x256xf32>, vector<3x256xf32>, vector<3x256xf32>, vector<3x256xf32>, vector<3x256xf32>, vector<3x256xf32>, vector<3x256xf32>, vector<3x256xf32>, vector<3x256xf32>, vector<3x256xf32> -> vector<3x8192xf32>
    %get3A_202 = arith.constant 5 : index
    %get3A_203 = arith.constant 0 : index
    %get3A_204 = arith.constant 0 : index
    %get3A_205 = vector.load %arg0[%get3A_202, %get3A_203, %get3A_204] : memref<8x3x8192xf32, #tpu.memory_space<vmem>>, vector<1x3x8192xf32>
    %get3A_206 = vector.shape_cast %get3A_205 : vector<1x3x8192xf32> to vector<3x8192xf32>
    %sub3A_207 = arith.subf %get3A_206, %concatenate3A_201 : vector<3x8192xf32>
    %dot_general3A_208 = arith.constant dense<0.000000e+00> : vector<32x8192xf32>
    %dot_general3A_209 = tpu.matmul %get3A_1, %sub3A_207, %dot_general3A_208 {dimension_numbers = #tpu.dot_dimension_numbers<[1], [0], [0], [1], [0, 0, 1, 1], [], []>, transpose_lhs_hint = false} : vector<32x3xf32>, vector<3x8192xf32>, vector<32x8192xf32> -> vector<32x8192xf32>
    %get3A_210 = arith.constant 0 : index
    %get3A_211 = arith.constant 0 : index
    %get3A_212 = vector.load %arg5[%get3A_210, %get3A_211] : memref<32x1xf32, #tpu.memory_space<vmem>>, vector<32x1xf32>
    %add3A_213 = vector.broadcast %get3A_212 : vector<32x1xf32> to vector<32x8192xf32>
    %add3A_214 = arith.addf %dot_general3A_209, %add3A_213 : vector<32x8192xf32>
    %swap3A_215 = arith.constant 160 : index
    %swap3A_216 = arith.constant 0 : index
    %swap3A_217 = vector.load %arg13[%swap3A_215, %swap3A_216] : memref<256x8192xf32, #tpu.memory_space<vmem>>, vector<32x8192xf32>
    tpu.vector_store %arg13[%swap3A_215, %swap3A_216], %add3A_214 {strides = array<i32>} : memref<256x8192xf32, #tpu.memory_space<vmem>>, vector<32x8192xf32>,
    %reduce_sum3A_218 = arith.constant dense<0.000000e+00> : vector<32xf32>
    %reduce_sum3A_219 = vector.multi_reduction <add>, %add3A_214, %reduce_sum3A_218 [1] : vector<32x8192xf32> to vector<32xf32>
    %broadcast_in_dim3A_220 = vector.shape_cast %reduce_sum3A_219 : vector<32xf32> to vector<32x1xf32>
    %add3A_221 = arith.addf %add3A_184, %broadcast_in_dim3A_220 : vector<32x1xf32>
    %get3A_222 = arith.constant 6 : index
    %get3A_223 = arith.constant 0 : index
    %get3A_224 = arith.constant 0 : index
    %get3A_225 = vector.load %arg1[%get3A_222, %get3A_223, %get3A_224] : memref<8x1x256xf32, #tpu.memory_space<vmem>>, vector<1x1x256xf32>
    %get3A_226 = vector.shape_cast %get3A_225 : vector<1x1x256xf32> to vector<1x256xf32>
    %get3A_227 = arith.constant 6 : index
    %get3A_228 = arith.constant 0 : index
    %get3A_229 = arith.constant 0 : index
    %get3A_230 = vector.load %arg2[%get3A_227, %get3A_228, %get3A_229] : memref<8x1x256xf32, #tpu.memory_space<vmem>>, vector<1x1x256xf32>
    %get3A_231 = vector.shape_cast %get3A_230 : vector<1x1x256xf32> to vector<1x256xf32>
    %get3A_232 = arith.constant 6 : index
    %get3A_233 = arith.constant 0 : index
    %get3A_234 = arith.constant 0 : index
    %get3A_235 = vector.load %arg3[%get3A_232, %get3A_233, %get3A_234] : memref<8x1x256xf32, #tpu.memory_space<vmem>>, vector<1x1x256xf32>
    %get3A_236 = vector.shape_cast %get3A_235 : vector<1x1x256xf32> to vector<1x256xf32>
    %concatenate3A_237 = tpu.concatenate %get3A_226, %get3A_231, %get3A_236 in 0 : vector<1x256xf32>, vector<1x256xf32>, vector<1x256xf32> -> vector<3x256xf32>
    %concatenate3A_238 = tpu.concatenate %concatenate3A_237, %concatenate3A_237, %concatenate3A_237, %concatenate3A_237, %concatenate3A_237, %concatenate3A_237, %concatenate3A_237, %concatenate3A_237, %concatenate3A_237, %concatenate3A_237, %concatenate3A_237, %concatenate3A_237, %concatenate3A_237, %concatenate3A_237, %concatenate3A_237, %concatenate3A_237, %concatenate3A_237, %concatenate3A_237, %concatenate3A_237, %concatenate3A_237, %concatenate3A_237, %concatenate3A_237, %concatenate3A_237, %concatenate3A_237, %concatenate3A_237, %concatenate3A_237, %concatenate3A_237, %concatenate3A_237, %concatenate3A_237, %concatenate3A_237, %concatenate3A_237, %concatenate3A_237 in 1 : vector<3x256xf32>, vector<3x256xf32>, vector<3x256xf32>, vector<3x256xf32>, vector<3x256xf32>, vector<3x256xf32>, vector<3x256xf32>, vector<3x256xf32>, vector<3x256xf32>, vector<3x256xf32>, vector<3x256xf32>, vector<3x256xf32>, vector<3x256xf32>, vector<3x256xf32>, vector<3x256xf32>, vector<3x256xf32>, vector<3x256xf32>, vector<3x256xf32>, vector<3x256xf32>, vector<3x256xf32>, vector<3x256xf32>, vector<3x256xf32>, vector<3x256xf32>, vector<3x256xf32>, vector<3x256xf32>, vector<3x256xf32>, vector<3x256xf32>, vector<3x256xf32>, vector<3x256xf32>, vector<3x256xf32>, vector<3x256xf32>, vector<3x256xf32> -> vector<3x8192xf32>
    %get3A_239 = arith.constant 6 : index
    %get3A_240 = arith.constant 0 : index
    %get3A_241 = arith.constant 0 : index
    %get3A_242 = vector.load %arg0[%get3A_239, %get3A_240, %get3A_241] : memref<8x3x8192xf32, #tpu.memory_space<vmem>>, vector<1x3x8192xf32>
    %get3A_243 = vector.shape_cast %get3A_242 : vector<1x3x8192xf32> to vector<3x8192xf32>
    %sub3A_244 = arith.subf %get3A_243, %concatenate3A_238 : vector<3x8192xf32>
    %dot_general3A_245 = arith.constant dense<0.000000e+00> : vector<32x8192xf32>
    %dot_general3A_246 = tpu.matmul %get3A_1, %sub3A_244, %dot_general3A_245 {dimension_numbers = #tpu.dot_dimension_numbers<[1], [0], [0], [1], [0, 0, 1, 1], [], []>, transpose_lhs_hint = false} : vector<32x3xf32>, vector<3x8192xf32>, vector<32x8192xf32> -> vector<32x8192xf32>
    %get3A_247 = arith.constant 0 : index
    %get3A_248 = arith.constant 0 : index
    %get3A_249 = vector.load %arg5[%get3A_247, %get3A_248] : memref<32x1xf32, #tpu.memory_space<vmem>>, vector<32x1xf32>
    %add3A_250 = vector.broadcast %get3A_249 : vector<32x1xf32> to vector<32x8192xf32>
    %add3A_251 = arith.addf %dot_general3A_246, %add3A_250 : vector<32x8192xf32>
    %swap3A_252 = arith.constant 192 : index
    %swap3A_253 = arith.constant 0 : index
    %swap3A_254 = vector.load %arg13[%swap3A_252, %swap3A_253] : memref<256x8192xf32, #tpu.memory_space<vmem>>, vector<32x8192xf32>
    tpu.vector_store %arg13[%swap3A_252, %swap3A_253], %add3A_251 {strides = array<i32>} : memref<256x8192xf32, #tpu.memory_space<vmem>>, vector<32x8192xf32>,
    %reduce_sum3A_255 = arith.constant dense<0.000000e+00> : vector<32xf32>
    %reduce_sum3A_256 = vector.multi_reduction <add>, %add3A_251, %reduce_sum3A_255 [1] : vector<32x8192xf32> to vector<32xf32>
    %broadcast_in_dim3A_257 = vector.shape_cast %reduce_sum3A_256 : vector<32xf32> to vector<32x1xf32>
    %add3A_258 = arith.addf %add3A_221, %broadcast_in_dim3A_257 : vector<32x1xf32>
    %get3A_259 = arith.constant 7 : index
    %get3A_260 = arith.constant 0 : index
    %get3A_261 = arith.constant 0 : index
    %get3A_262 = vector.load %arg1[%get3A_259, %get3A_260, %get3A_261] : memref<8x1x256xf32, #tpu.memory_space<vmem>>, vector<1x1x256xf32>
    %get3A_263 = vector.shape_cast %get3A_262 : vector<1x1x256xf32> to vector<1x256xf32>
    %get3A_264 = arith.constant 7 : index
    %get3A_265 = arith.constant 0 : index
    %get3A_266 = arith.constant 0 : index
    %get3A_267 = vector.load %arg2[%get3A_264, %get3A_265, %get3A_266] : memref<8x1x256xf32, #tpu.memory_space<vmem>>, vector<1x1x256xf32>
    %get3A_268 = vector.shape_cast %get3A_267 : vector<1x1x256xf32> to vector<1x256xf32>
    %get3A_269 = arith.constant 7 : index
    %get3A_270 = arith.constant 0 : index
    %get3A_271 = arith.constant 0 : index
    %get3A_272 = vector.load %arg3[%get3A_269, %get3A_270, %get3A_271] : memref<8x1x256xf32, #tpu.memory_space<vmem>>, vector<1x1x256xf32>
    %get3A_273 = vector.shape_cast %get3A_272 : vector<1x1x256xf32> to vector<1x256xf32>
    %concatenate3A_274 = tpu.concatenate %get3A_263, %get3A_268, %get3A_273 in 0 : vector<1x256xf32>, vector<1x256xf32>, vector<1x256xf32> -> vector<3x256xf32>
    %concatenate3A_275 = tpu.concatenate %concatenate3A_274, %concatenate3A_274, %concatenate3A_274, %concatenate3A_274, %concatenate3A_274, %concatenate3A_274, %concatenate3A_274, %concatenate3A_274, %concatenate3A_274, %concatenate3A_274, %concatenate3A_274, %concatenate3A_274, %concatenate3A_274, %concatenate3A_274, %concatenate3A_274, %concatenate3A_274, %concatenate3A_274, %concatenate3A_274, %concatenate3A_274, %concatenate3A_274, %concatenate3A_274, %concatenate3A_274, %concatenate3A_274, %concatenate3A_274, %concatenate3A_274, %concatenate3A_274, %concatenate3A_274, %concatenate3A_274, %concatenate3A_274, %concatenate3A_274, %concatenate3A_274, %concatenate3A_274 in 1 : vector<3x256xf32>, vector<3x256xf32>, vector<3x256xf32>, vector<3x256xf32>, vector<3x256xf32>, vector<3x256xf32>, vector<3x256xf32>, vector<3x256xf32>, vector<3x256xf32>, vector<3x256xf32>, vector<3x256xf32>, vector<3x256xf32>, vector<3x256xf32>, vector<3x256xf32>, vector<3x256xf32>, vector<3x256xf32>, vector<3x256xf32>, vector<3x256xf32>, vector<3x256xf32>, vector<3x256xf32>, vector<3x256xf32>, vector<3x256xf32>, vector<3x256xf32>, vector<3x256xf32>, vector<3x256xf32>, vector<3x256xf32>, vector<3x256xf32>, vector<3x256xf32>, vector<3x256xf32>, vector<3x256xf32>, vector<3x256xf32>, vector<3x256xf32> -> vector<3x8192xf32>
    %get3A_276 = arith.constant 7 : index
    %get3A_277 = arith.constant 0 : index
    %get3A_278 = arith.constant 0 : index
    %get3A_279 = vector.load %arg0[%get3A_276, %get3A_277, %get3A_278] : memref<8x3x8192xf32, #tpu.memory_space<vmem>>, vector<1x3x8192xf32>
    %get3A_280 = vector.shape_cast %get3A_279 : vector<1x3x8192xf32> to vector<3x8192xf32>
    %sub3A_281 = arith.subf %get3A_280, %concatenate3A_275 : vector<3x8192xf32>
    %dot_general3A_282 = arith.constant dense<0.000000e+00> : vector<32x8192xf32>
    %dot_general3A_283 = tpu.matmul %get3A_1, %sub3A_281, %dot_general3A_282 {dimension_numbers = #tpu.dot_dimension_numbers<[1], [0], [0], [1], [0, 0, 1, 1], [], []>, transpose_lhs_hint = false} : vector<32x3xf32>, vector<3x8192xf32>, vector<32x8192xf32> -> vector<32x8192xf32>
    %get3A_284 = arith.constant 0 : index
    %get3A_285 = arith.constant 0 : index
    %get3A_286 = vector.load %arg5[%get3A_284, %get3A_285] : memref<32x1xf32, #tpu.memory_space<vmem>>, vector<32x1xf32>
    %add3A_287 = vector.broadcast %get3A_286 : vector<32x1xf32> to vector<32x8192xf32>
    %add3A_288 = arith.addf %dot_general3A_283, %add3A_287 : vector<32x8192xf32>
    %swap3A_289 = arith.constant 224 : index
    %swap3A_290 = arith.constant 0 : index
    %swap3A_291 = vector.load %arg13[%swap3A_289, %swap3A_290] : memref<256x8192xf32, #tpu.memory_space<vmem>>, vector<32x8192xf32>
    tpu.vector_store %arg13[%swap3A_289, %swap3A_290], %add3A_288 {strides = array<i32>} : memref<256x8192xf32, #tpu.memory_space<vmem>>, vector<32x8192xf32>,
    %reduce_sum3A_292 = arith.constant dense<0.000000e+00> : vector<32xf32>
    %reduce_sum3A_293 = vector.multi_reduction <add>, %add3A_288, %reduce_sum3A_292 [1] : vector<32x8192xf32> to vector<32xf32>
    %broadcast_in_dim3A_294 = vector.shape_cast %reduce_sum3A_293 : vector<32xf32> to vector<32x1xf32>
    %add3A_295 = arith.addf %add3A_258, %broadcast_in_dim3A_294 : vector<32x1xf32>
    %div3A = arith.constant 6.553600e+04 : f32
    %div3A_296 = vector.broadcast %div3A : f32 to vector<32x1xf32>
    %div3A_297 = arith.divf %add3A_295, %div3A_296 : vector<32x1xf32>
    %broadcast_in_dim3A_298 = arith.constant 0.000000e+00 : f32
    %broadcast_in_dim3A_299 = vector.broadcast %broadcast_in_dim3A_298 : f32 to vector<32x1xf32>
    %get3A_300 = arith.constant 0 : index
    %get3A_301 = arith.constant 0 : index
    %get3A_302 = vector.load %arg13[%get3A_300, %get3A_301] : memref<256x8192xf32, #tpu.memory_space<vmem>>, vector<32x8192xf32>
    %sub3A_303 = vector.broadcast %div3A_297 : vector<32x1xf32> to vector<32x8192xf32>
    %sub3A_304 = arith.subf %get3A_302, %sub3A_303 : vector<32x8192xf32>
    %mul3A = arith.mulf %sub3A_304, %sub3A_304 : vector<32x8192xf32>
    %reduce_sum3A_305 = arith.constant dense<0.000000e+00> : vector<32xf32>
    %reduce_sum3A_306 = vector.multi_reduction <add>, %mul3A, %reduce_sum3A_305 [1] : vector<32x8192xf32> to vector<32xf32>
    %broadcast_in_dim3A_307 = vector.shape_cast %reduce_sum3A_306 : vector<32xf32> to vector<32x1xf32>
    %add3A_308 = arith.addf %broadcast_in_dim3A_299, %broadcast_in_dim3A_307 : vector<32x1xf32>
    %get3A_309 = arith.constant 32 : index
    %get3A_310 = arith.constant 0 : index
    %get3A_311 = vector.load %arg13[%get3A_309, %get3A_310] : memref<256x8192xf32, #tpu.memory_space<vmem>>, vector<32x8192xf32>
    %sub3A_312 = vector.broadcast %div3A_297 : vector<32x1xf32> to vector<32x8192xf32>
    %sub3A_313 = arith.subf %get3A_311, %sub3A_312 : vector<32x8192xf32>
    %mul3A_314 = arith.mulf %sub3A_313, %sub3A_313 : vector<32x8192xf32>
    %reduce_sum3A_315 = arith.constant dense<0.000000e+00> : vector<32xf32>
    %reduce_sum3A_316 = vector.multi_reduction <add>, %mul3A_314, %reduce_sum3A_315 [1] : vector<32x8192xf32> to vector<32xf32>
    %broadcast_in_dim3A_317 = vector.shape_cast %reduce_sum3A_316 : vector<32xf32> to vector<32x1xf32>
    %add3A_318 = arith.addf %add3A_308, %broadcast_in_dim3A_317 : vector<32x1xf32>
    %get3A_319 = arith.constant 64 : index
    %get3A_320 = arith.constant 0 : index
    %get3A_321 = vector.load %arg13[%get3A_319, %get3A_320] : memref<256x8192xf32, #tpu.memory_space<vmem>>, vector<32x8192xf32>
    %sub3A_322 = vector.broadcast %div3A_297 : vector<32x1xf32> to vector<32x8192xf32>
    %sub3A_323 = arith.subf %get3A_321, %sub3A_322 : vector<32x8192xf32>
    %mul3A_324 = arith.mulf %sub3A_323, %sub3A_323 : vector<32x8192xf32>
    %reduce_sum3A_325 = arith.constant dense<0.000000e+00> : vector<32xf32>
    %reduce_sum3A_326 = vector.multi_reduction <add>, %mul3A_324, %reduce_sum3A_325 [1] : vector<32x8192xf32> to vector<32xf32>
    %broadcast_in_dim3A_327 = vector.shape_cast %reduce_sum3A_326 : vector<32xf32> to vector<32x1xf32>
    %add3A_328 = arith.addf %add3A_318, %broadcast_in_dim3A_327 : vector<32x1xf32>
    %get3A_329 = arith.constant 96 : index
    %get3A_330 = arith.constant 0 : index
    %get3A_331 = vector.load %arg13[%get3A_329, %get3A_330] : memref<256x8192xf32, #tpu.memory_space<vmem>>, vector<32x8192xf32>
    %sub3A_332 = vector.broadcast %div3A_297 : vector<32x1xf32> to vector<32x8192xf32>
    %sub3A_333 = arith.subf %get3A_331, %sub3A_332 : vector<32x8192xf32>
    %mul3A_334 = arith.mulf %sub3A_333, %sub3A_333 : vector<32x8192xf32>
    %reduce_sum3A_335 = arith.constant dense<0.000000e+00> : vector<32xf32>
    %reduce_sum3A_336 = vector.multi_reduction <add>, %mul3A_334, %reduce_sum3A_335 [1] : vector<32x8192xf32> to vector<32xf32>
    %broadcast_in_dim3A_337 = vector.shape_cast %reduce_sum3A_336 : vector<32xf32> to vector<32x1xf32>
    %add3A_338 = arith.addf %add3A_328, %broadcast_in_dim3A_337 : vector<32x1xf32>
    %get3A_339 = arith.constant 128 : index
    %get3A_340 = arith.constant 0 : index
    %get3A_341 = vector.load %arg13[%get3A_339, %get3A_340] : memref<256x8192xf32, #tpu.memory_space<vmem>>, vector<32x8192xf32>
    %sub3A_342 = vector.broadcast %div3A_297 : vector<32x1xf32> to vector<32x8192xf32>
    %sub3A_343 = arith.subf %get3A_341, %sub3A_342 : vector<32x8192xf32>
    %mul3A_344 = arith.mulf %sub3A_343, %sub3A_343 : vector<32x8192xf32>
    %reduce_sum3A_345 = arith.constant dense<0.000000e+00> : vector<32xf32>
    %reduce_sum3A_346 = vector.multi_reduction <add>, %mul3A_344, %reduce_sum3A_345 [1] : vector<32x8192xf32> to vector<32xf32>
    %broadcast_in_dim3A_347 = vector.shape_cast %reduce_sum3A_346 : vector<32xf32> to vector<32x1xf32>
    %add3A_348 = arith.addf %add3A_338, %broadcast_in_dim3A_347 : vector<32x1xf32>
    %get3A_349 = arith.constant 160 : index
    %get3A_350 = arith.constant 0 : index
    %get3A_351 = vector.load %arg13[%get3A_349, %get3A_350] : memref<256x8192xf32, #tpu.memory_space<vmem>>, vector<32x8192xf32>
    %sub3A_352 = vector.broadcast %div3A_297 : vector<32x1xf32> to vector<32x8192xf32>
    %sub3A_353 = arith.subf %get3A_351, %sub3A_352 : vector<32x8192xf32>
    %mul3A_354 = arith.mulf %sub3A_353, %sub3A_353 : vector<32x8192xf32>
    %reduce_sum3A_355 = arith.constant dense<0.000000e+00> : vector<32xf32>
    %reduce_sum3A_356 = vector.multi_reduction <add>, %mul3A_354, %reduce_sum3A_355 [1] : vector<32x8192xf32> to vector<32xf32>
    %broadcast_in_dim3A_357 = vector.shape_cast %reduce_sum3A_356 : vector<32xf32> to vector<32x1xf32>
    %add3A_358 = arith.addf %add3A_348, %broadcast_in_dim3A_357 : vector<32x1xf32>
    %get3A_359 = arith.constant 192 : index
    %get3A_360 = arith.constant 0 : index
    %get3A_361 = vector.load %arg13[%get3A_359, %get3A_360] : memref<256x8192xf32, #tpu.memory_space<vmem>>, vector<32x8192xf32>
    %sub3A_362 = vector.broadcast %div3A_297 : vector<32x1xf32> to vector<32x8192xf32>
    %sub3A_363 = arith.subf %get3A_361, %sub3A_362 : vector<32x8192xf32>
    %mul3A_364 = arith.mulf %sub3A_363, %sub3A_363 : vector<32x8192xf32>
    %reduce_sum3A_365 = arith.constant dense<0.000000e+00> : vector<32xf32>
    %reduce_sum3A_366 = vector.multi_reduction <add>, %mul3A_364, %reduce_sum3A_365 [1] : vector<32x8192xf32> to vector<32xf32>
    %broadcast_in_dim3A_367 = vector.shape_cast %reduce_sum3A_366 : vector<32xf32> to vector<32x1xf32>
    %add3A_368 = arith.addf %add3A_358, %broadcast_in_dim3A_367 : vector<32x1xf32>
    %get3A_369 = arith.constant 224 : index
    %get3A_370 = arith.constant 0 : index
    %get3A_371 = vector.load %arg13[%get3A_369, %get3A_370] : memref<256x8192xf32, #tpu.memory_space<vmem>>, vector<32x8192xf32>
    %sub3A_372 = vector.broadcast %div3A_297 : vector<32x1xf32> to vector<32x8192xf32>
    %sub3A_373 = arith.subf %get3A_371, %sub3A_372 : vector<32x8192xf32>
    %mul3A_374 = arith.mulf %sub3A_373, %sub3A_373 : vector<32x8192xf32>
    %reduce_sum3A_375 = arith.constant dense<0.000000e+00> : vector<32xf32>
    %reduce_sum3A_376 = vector.multi_reduction <add>, %mul3A_374, %reduce_sum3A_375 [1] : vector<32x8192xf32> to vector<32xf32>
    %broadcast_in_dim3A_377 = vector.shape_cast %reduce_sum3A_376 : vector<32xf32> to vector<32x1xf32>
    %add3A_378 = arith.addf %add3A_368, %broadcast_in_dim3A_377 : vector<32x1xf32>
    %get3A_379 = arith.constant 0 : index
    %get3A_380 = arith.constant 0 : index
    %get3A_381 = vector.load %arg6[%get3A_379, %get3A_380] : memref<32x1xf32, #tpu.memory_space<vmem>>, vector<32x1xf32>
    %div3A_382 = arith.constant 6.553600e+04 : f32
    %div3A_383 = vector.broadcast %div3A_382 : f32 to vector<32x1xf32>
    %div3A_384 = arith.divf %add3A_378, %div3A_383 : vector<32x1xf32>
    %add3A_385 = arith.constant 9.99999974E-6 : f32
    %add3A_386 = vector.broadcast %add3A_385 : f32 to vector<32x1xf32>
    %add3A_387 = arith.addf %div3A_384, %add3A_386 : vector<32x1xf32>
    %sqrt3A = math.sqrt %add3A_387 : vector<32x1xf32>
    %div3A_388 = arith.divf %get3A_381, %sqrt3A : vector<32x1xf32>
    %broadcast_in_dim3A_389 = arith.constant 0.000000e+00 : f32
    %broadcast_in_dim3A_390 = vector.broadcast %broadcast_in_dim3A_389 : f32 to vector<64x1xf32>
    %get3A_391 = arith.constant 0 : index
    %get3A_392 = arith.constant 0 : index
    %get3A_393 = vector.load %arg13[%get3A_391, %get3A_392] : memref<256x8192xf32, #tpu.memory_space<vmem>>, vector<32x8192xf32>
    %sub3A_394 = vector.broadcast %div3A_297 : vector<32x1xf32> to vector<32x8192xf32>
    %sub3A_395 = arith.subf %get3A_393, %sub3A_394 : vector<32x8192xf32>
    %mul3A_396 = vector.broadcast %div3A_388 : vector<32x1xf32> to vector<32x8192xf32>
    %mul3A_397 = arith.mulf %sub3A_395, %mul3A_396 : vector<32x8192xf32>
    %get3A_398 = arith.constant 0 : index
    %get3A_399 = arith.constant 0 : index
    %get3A_400 = vector.load %arg7[%get3A_398, %get3A_399] : memref<32x1xf32, #tpu.memory_space<vmem>>, vector<32x1xf32>
    %add3A_401 = vector.broadcast %get3A_400 : vector<32x1xf32> to vector<32x8192xf32>
    %add3A_402 = arith.addf %mul3A_397, %add3A_401 : vector<32x8192xf32>
    %max3A = arith.constant 0.000000e+00 : f32
    %max3A_403 = vector.broadcast %max3A : f32 to vector<32x8192xf32>
    %max3A_404 = arith.maximumf %add3A_402, %max3A_403 : vector<32x8192xf32>
    %dot_general3A_405 = arith.constant dense<0.000000e+00> : vector<64x8192xf32>
    %dot_general3A_406 = tpu.matmul %get3A_4, %max3A_404, %dot_general3A_405 {dimension_numbers = #tpu.dot_dimension_numbers<[1], [0], [0], [1], [0, 0, 1, 1], [], []>, transpose_lhs_hint = false} : vector<64x32xf32>, vector<32x8192xf32>, vector<64x8192xf32> -> vector<64x8192xf32>
    %get3A_407 = arith.constant 0 : index
    %get3A_408 = arith.constant 0 : index
    %get3A_409 = vector.load %arg9[%get3A_407, %get3A_408] : memref<64x1xf32, #tpu.memory_space<vmem>>, vector<64x1xf32>
    %add3A_410 = vector.broadcast %get3A_409 : vector<64x1xf32> to vector<64x8192xf32>
    %add3A_411 = arith.addf %dot_general3A_406, %add3A_410 : vector<64x8192xf32>
    %swap3A_412 = arith.constant 0 : index
    %swap3A_413 = arith.constant 0 : index
    %swap3A_414 = vector.load %arg14[%swap3A_412, %swap3A_413] : memref<512x8192xf32, #tpu.memory_space<vmem>>, vector<64x8192xf32>
    tpu.vector_store %arg14[%swap3A_412, %swap3A_413], %add3A_411 {strides = array<i32>} : memref<512x8192xf32, #tpu.memory_space<vmem>>, vector<64x8192xf32>,
    %reduce_sum3A_415 = arith.constant dense<0.000000e+00> : vector<64xf32>
    %reduce_sum3A_416 = vector.multi_reduction <add>, %add3A_411, %reduce_sum3A_415 [1] : vector<64x8192xf32> to vector<64xf32>
    %broadcast_in_dim3A_417 = vector.shape_cast %reduce_sum3A_416 : vector<64xf32> to vector<64x1xf32>
    %add3A_418 = arith.addf %broadcast_in_dim3A_390, %broadcast_in_dim3A_417 : vector<64x1xf32>
    %get3A_419 = arith.constant 32 : index
    %get3A_420 = arith.constant 0 : index
    %get3A_421 = vector.load %arg13[%get3A_419, %get3A_420] : memref<256x8192xf32, #tpu.memory_space<vmem>>, vector<32x8192xf32>
    %sub3A_422 = vector.broadcast %div3A_297 : vector<32x1xf32> to vector<32x8192xf32>
    %sub3A_423 = arith.subf %get3A_421, %sub3A_422 : vector<32x8192xf32>
    %mul3A_424 = vector.broadcast %div3A_388 : vector<32x1xf32> to vector<32x8192xf32>
    %mul3A_425 = arith.mulf %sub3A_423, %mul3A_424 : vector<32x8192xf32>
    %get3A_426 = arith.constant 0 : index
    %get3A_427 = arith.constant 0 : index
    %get3A_428 = vector.load %arg7[%get3A_426, %get3A_427] : memref<32x1xf32, #tpu.memory_space<vmem>>, vector<32x1xf32>
    %add3A_429 = vector.broadcast %get3A_428 : vector<32x1xf32> to vector<32x8192xf32>
    %add3A_430 = arith.addf %mul3A_425, %add3A_429 : vector<32x8192xf32>
    %max3A_431 = arith.constant 0.000000e+00 : f32
    %max3A_432 = vector.broadcast %max3A_431 : f32 to vector<32x8192xf32>
    %max3A_433 = arith.maximumf %add3A_430, %max3A_432 : vector<32x8192xf32>
    %dot_general3A_434 = arith.constant dense<0.000000e+00> : vector<64x8192xf32>
    %dot_general3A_435 = tpu.matmul %get3A_4, %max3A_433, %dot_general3A_434 {dimension_numbers = #tpu.dot_dimension_numbers<[1], [0], [0], [1], [0, 0, 1, 1], [], []>, transpose_lhs_hint = false} : vector<64x32xf32>, vector<32x8192xf32>, vector<64x8192xf32> -> vector<64x8192xf32>
    %get3A_436 = arith.constant 0 : index
    %get3A_437 = arith.constant 0 : index
    %get3A_438 = vector.load %arg9[%get3A_436, %get3A_437] : memref<64x1xf32, #tpu.memory_space<vmem>>, vector<64x1xf32>
    %add3A_439 = vector.broadcast %get3A_438 : vector<64x1xf32> to vector<64x8192xf32>
    %add3A_440 = arith.addf %dot_general3A_435, %add3A_439 : vector<64x8192xf32>
    %swap3A_441 = arith.constant 64 : index
    %swap3A_442 = arith.constant 0 : index
    %swap3A_443 = vector.load %arg14[%swap3A_441, %swap3A_442] : memref<512x8192xf32, #tpu.memory_space<vmem>>, vector<64x8192xf32>
    tpu.vector_store %arg14[%swap3A_441, %swap3A_442], %add3A_440 {strides = array<i32>} : memref<512x8192xf32, #tpu.memory_space<vmem>>, vector<64x8192xf32>,
    %reduce_sum3A_444 = arith.constant dense<0.000000e+00> : vector<64xf32>
    %reduce_sum3A_445 = vector.multi_reduction <add>, %add3A_440, %reduce_sum3A_444 [1] : vector<64x8192xf32> to vector<64xf32>
    %broadcast_in_dim3A_446 = vector.shape_cast %reduce_sum3A_445 : vector<64xf32> to vector<64x1xf32>
    %add3A_447 = arith.addf %add3A_418, %broadcast_in_dim3A_446 : vector<64x1xf32>
    %get3A_448 = arith.constant 64 : index
    %get3A_449 = arith.constant 0 : index
    %get3A_450 = vector.load %arg13[%get3A_448, %get3A_449] : memref<256x8192xf32, #tpu.memory_space<vmem>>, vector<32x8192xf32>
    %sub3A_451 = vector.broadcast %div3A_297 : vector<32x1xf32> to vector<32x8192xf32>
    %sub3A_452 = arith.subf %get3A_450, %sub3A_451 : vector<32x8192xf32>
    %mul3A_453 = vector.broadcast %div3A_388 : vector<32x1xf32> to vector<32x8192xf32>
    %mul3A_454 = arith.mulf %sub3A_452, %mul3A_453 : vector<32x8192xf32>
    %get3A_455 = arith.constant 0 : index
    %get3A_456 = arith.constant 0 : index
    %get3A_457 = vector.load %arg7[%get3A_455, %get3A_456] : memref<32x1xf32, #tpu.memory_space<vmem>>, vector<32x1xf32>
    %add3A_458 = vector.broadcast %get3A_457 : vector<32x1xf32> to vector<32x8192xf32>
    %add3A_459 = arith.addf %mul3A_454, %add3A_458 : vector<32x8192xf32>
    %max3A_460 = arith.constant 0.000000e+00 : f32
    %max3A_461 = vector.broadcast %max3A_460 : f32 to vector<32x8192xf32>
    %max3A_462 = arith.maximumf %add3A_459, %max3A_461 : vector<32x8192xf32>
    %dot_general3A_463 = arith.constant dense<0.000000e+00> : vector<64x8192xf32>
    %dot_general3A_464 = tpu.matmul %get3A_4, %max3A_462, %dot_general3A_463 {dimension_numbers = #tpu.dot_dimension_numbers<[1], [0], [0], [1], [0, 0, 1, 1], [], []>, transpose_lhs_hint = false} : vector<64x32xf32>, vector<32x8192xf32>, vector<64x8192xf32> -> vector<64x8192xf32>
    %get3A_465 = arith.constant 0 : index
    %get3A_466 = arith.constant 0 : index
    %get3A_467 = vector.load %arg9[%get3A_465, %get3A_466] : memref<64x1xf32, #tpu.memory_space<vmem>>, vector<64x1xf32>
    %add3A_468 = vector.broadcast %get3A_467 : vector<64x1xf32> to vector<64x8192xf32>
    %add3A_469 = arith.addf %dot_general3A_464, %add3A_468 : vector<64x8192xf32>
    %swap3A_470 = arith.constant 128 : index
    %swap3A_471 = arith.constant 0 : index
    %swap3A_472 = vector.load %arg14[%swap3A_470, %swap3A_471] : memref<512x8192xf32, #tpu.memory_space<vmem>>, vector<64x8192xf32>
    tpu.vector_store %arg14[%swap3A_470, %swap3A_471], %add3A_469 {strides = array<i32>} : memref<512x8192xf32, #tpu.memory_space<vmem>>, vector<64x8192xf32>,
    %reduce_sum3A_473 = arith.constant dense<0.000000e+00> : vector<64xf32>
    %reduce_sum3A_474 = vector.multi_reduction <add>, %add3A_469, %reduce_sum3A_473 [1] : vector<64x8192xf32> to vector<64xf32>
    %broadcast_in_dim3A_475 = vector.shape_cast %reduce_sum3A_474 : vector<64xf32> to vector<64x1xf32>
    %add3A_476 = arith.addf %add3A_447, %broadcast_in_dim3A_475 : vector<64x1xf32>
    %get3A_477 = arith.constant 96 : index
    %get3A_478 = arith.constant 0 : index
    %get3A_479 = vector.load %arg13[%get3A_477, %get3A_478] : memref<256x8192xf32, #tpu.memory_space<vmem>>, vector<32x8192xf32>
    %sub3A_480 = vector.broadcast %div3A_297 : vector<32x1xf32> to vector<32x8192xf32>
    %sub3A_481 = arith.subf %get3A_479, %sub3A_480 : vector<32x8192xf32>
    %mul3A_482 = vector.broadcast %div3A_388 : vector<32x1xf32> to vector<32x8192xf32>
    %mul3A_483 = arith.mulf %sub3A_481, %mul3A_482 : vector<32x8192xf32>
    %get3A_484 = arith.constant 0 : index
    %get3A_485 = arith.constant 0 : index
    %get3A_486 = vector.load %arg7[%get3A_484, %get3A_485] : memref<32x1xf32, #tpu.memory_space<vmem>>, vector<32x1xf32>
    %add3A_487 = vector.broadcast %get3A_486 : vector<32x1xf32> to vector<32x8192xf32>
    %add3A_488 = arith.addf %mul3A_483, %add3A_487 : vector<32x8192xf32>
    %max3A_489 = arith.constant 0.000000e+00 : f32
    %max3A_490 = vector.broadcast %max3A_489 : f32 to vector<32x8192xf32>
    %max3A_491 = arith.maximumf %add3A_488, %max3A_490 : vector<32x8192xf32>
    %dot_general3A_492 = arith.constant dense<0.000000e+00> : vector<64x8192xf32>
    %dot_general3A_493 = tpu.matmul %get3A_4, %max3A_491, %dot_general3A_492 {dimension_numbers = #tpu.dot_dimension_numbers<[1], [0], [0], [1], [0, 0, 1, 1], [], []>, transpose_lhs_hint = false} : vector<64x32xf32>, vector<32x8192xf32>, vector<64x8192xf32> -> vector<64x8192xf32>
    %get3A_494 = arith.constant 0 : index
    %get3A_495 = arith.constant 0 : index
    %get3A_496 = vector.load %arg9[%get3A_494, %get3A_495] : memref<64x1xf32, #tpu.memory_space<vmem>>, vector<64x1xf32>
    %add3A_497 = vector.broadcast %get3A_496 : vector<64x1xf32> to vector<64x8192xf32>
    %add3A_498 = arith.addf %dot_general3A_493, %add3A_497 : vector<64x8192xf32>
    %swap3A_499 = arith.constant 192 : index
    %swap3A_500 = arith.constant 0 : index
    %swap3A_501 = vector.load %arg14[%swap3A_499, %swap3A_500] : memref<512x8192xf32, #tpu.memory_space<vmem>>, vector<64x8192xf32>
    tpu.vector_store %arg14[%swap3A_499, %swap3A_500], %add3A_498 {strides = array<i32>} : memref<512x8192xf32, #tpu.memory_space<vmem>>, vector<64x8192xf32>,
    %reduce_sum3A_502 = arith.constant dense<0.000000e+00> : vector<64xf32>
    %reduce_sum3A_503 = vector.multi_reduction <add>, %add3A_498, %reduce_sum3A_502 [1] : vector<64x8192xf32> to vector<64xf32>
    %broadcast_in_dim3A_504 = vector.shape_cast %reduce_sum3A_503 : vector<64xf32> to vector<64x1xf32>
    %add3A_505 = arith.addf %add3A_476, %broadcast_in_dim3A_504 : vector<64x1xf32>
    %get3A_506 = arith.constant 128 : index
    %get3A_507 = arith.constant 0 : index
    %get3A_508 = vector.load %arg13[%get3A_506, %get3A_507] : memref<256x8192xf32, #tpu.memory_space<vmem>>, vector<32x8192xf32>
    %sub3A_509 = vector.broadcast %div3A_297 : vector<32x1xf32> to vector<32x8192xf32>
    %sub3A_510 = arith.subf %get3A_508, %sub3A_509 : vector<32x8192xf32>
    %mul3A_511 = vector.broadcast %div3A_388 : vector<32x1xf32> to vector<32x8192xf32>
    %mul3A_512 = arith.mulf %sub3A_510, %mul3A_511 : vector<32x8192xf32>
    %get3A_513 = arith.constant 0 : index
    %get3A_514 = arith.constant 0 : index
    %get3A_515 = vector.load %arg7[%get3A_513, %get3A_514] : memref<32x1xf32, #tpu.memory_space<vmem>>, vector<32x1xf32>
    %add3A_516 = vector.broadcast %get3A_515 : vector<32x1xf32> to vector<32x8192xf32>
    %add3A_517 = arith.addf %mul3A_512, %add3A_516 : vector<32x8192xf32>
    %max3A_518 = arith.constant 0.000000e+00 : f32
    %max3A_519 = vector.broadcast %max3A_518 : f32 to vector<32x8192xf32>
    %max3A_520 = arith.maximumf %add3A_517, %max3A_519 : vector<32x8192xf32>
    %dot_general3A_521 = arith.constant dense<0.000000e+00> : vector<64x8192xf32>
    %dot_general3A_522 = tpu.matmul %get3A_4, %max3A_520, %dot_general3A_521 {dimension_numbers = #tpu.dot_dimension_numbers<[1], [0], [0], [1], [0, 0, 1, 1], [], []>, transpose_lhs_hint = false} : vector<64x32xf32>, vector<32x8192xf32>, vector<64x8192xf32> -> vector<64x8192xf32>
    %get3A_523 = arith.constant 0 : index
    %get3A_524 = arith.constant 0 : index
    %get3A_525 = vector.load %arg9[%get3A_523, %get3A_524] : memref<64x1xf32, #tpu.memory_space<vmem>>, vector<64x1xf32>
    %add3A_526 = vector.broadcast %get3A_525 : vector<64x1xf32> to vector<64x8192xf32>
    %add3A_527 = arith.addf %dot_general3A_522, %add3A_526 : vector<64x8192xf32>
    %swap3A_528 = arith.constant 256 : index
    %swap3A_529 = arith.constant 0 : index
    %swap3A_530 = vector.load %arg14[%swap3A_528, %swap3A_529] : memref<512x8192xf32, #tpu.memory_space<vmem>>, vector<64x8192xf32>
    tpu.vector_store %arg14[%swap3A_528, %swap3A_529], %add3A_527 {strides = array<i32>} : memref<512x8192xf32, #tpu.memory_space<vmem>>, vector<64x8192xf32>,
    %reduce_sum3A_531 = arith.constant dense<0.000000e+00> : vector<64xf32>
    %reduce_sum3A_532 = vector.multi_reduction <add>, %add3A_527, %reduce_sum3A_531 [1] : vector<64x8192xf32> to vector<64xf32>
    %broadcast_in_dim3A_533 = vector.shape_cast %reduce_sum3A_532 : vector<64xf32> to vector<64x1xf32>
    %add3A_534 = arith.addf %add3A_505, %broadcast_in_dim3A_533 : vector<64x1xf32>
    %get3A_535 = arith.constant 160 : index
    %get3A_536 = arith.constant 0 : index
    %get3A_537 = vector.load %arg13[%get3A_535, %get3A_536] : memref<256x8192xf32, #tpu.memory_space<vmem>>, vector<32x8192xf32>
    %sub3A_538 = vector.broadcast %div3A_297 : vector<32x1xf32> to vector<32x8192xf32>
    %sub3A_539 = arith.subf %get3A_537, %sub3A_538 : vector<32x8192xf32>
    %mul3A_540 = vector.broadcast %div3A_388 : vector<32x1xf32> to vector<32x8192xf32>
    %mul3A_541 = arith.mulf %sub3A_539, %mul3A_540 : vector<32x8192xf32>
    %get3A_542 = arith.constant 0 : index
    %get3A_543 = arith.constant 0 : index
    %get3A_544 = vector.load %arg7[%get3A_542, %get3A_543] : memref<32x1xf32, #tpu.memory_space<vmem>>, vector<32x1xf32>
    %add3A_545 = vector.broadcast %get3A_544 : vector<32x1xf32> to vector<32x8192xf32>
    %add3A_546 = arith.addf %mul3A_541, %add3A_545 : vector<32x8192xf32>
    %max3A_547 = arith.constant 0.000000e+00 : f32
    %max3A_548 = vector.broadcast %max3A_547 : f32 to vector<32x8192xf32>
    %max3A_549 = arith.maximumf %add3A_546, %max3A_548 : vector<32x8192xf32>
    %dot_general3A_550 = arith.constant dense<0.000000e+00> : vector<64x8192xf32>
    %dot_general3A_551 = tpu.matmul %get3A_4, %max3A_549, %dot_general3A_550 {dimension_numbers = #tpu.dot_dimension_numbers<[1], [0], [0], [1], [0, 0, 1, 1], [], []>, transpose_lhs_hint = false} : vector<64x32xf32>, vector<32x8192xf32>, vector<64x8192xf32> -> vector<64x8192xf32>
    %get3A_552 = arith.constant 0 : index
    %get3A_553 = arith.constant 0 : index
    %get3A_554 = vector.load %arg9[%get3A_552, %get3A_553] : memref<64x1xf32, #tpu.memory_space<vmem>>, vector<64x1xf32>
    %add3A_555 = vector.broadcast %get3A_554 : vector<64x1xf32> to vector<64x8192xf32>
    %add3A_556 = arith.addf %dot_general3A_551, %add3A_555 : vector<64x8192xf32>
    %swap3A_557 = arith.constant 320 : index
    %swap3A_558 = arith.constant 0 : index
    %swap3A_559 = vector.load %arg14[%swap3A_557, %swap3A_558] : memref<512x8192xf32, #tpu.memory_space<vmem>>, vector<64x8192xf32>
    tpu.vector_store %arg14[%swap3A_557, %swap3A_558], %add3A_556 {strides = array<i32>} : memref<512x8192xf32, #tpu.memory_space<vmem>>, vector<64x8192xf32>,
    %reduce_sum3A_560 = arith.constant dense<0.000000e+00> : vector<64xf32>
    %reduce_sum3A_561 = vector.multi_reduction <add>, %add3A_556, %reduce_sum3A_560 [1] : vector<64x8192xf32> to vector<64xf32>
    %broadcast_in_dim3A_562 = vector.shape_cast %reduce_sum3A_561 : vector<64xf32> to vector<64x1xf32>
    %add3A_563 = arith.addf %add3A_534, %broadcast_in_dim3A_562 : vector<64x1xf32>
    %get3A_564 = arith.constant 192 : index
    %get3A_565 = arith.constant 0 : index
    %get3A_566 = vector.load %arg13[%get3A_564, %get3A_565] : memref<256x8192xf32, #tpu.memory_space<vmem>>, vector<32x8192xf32>
    %sub3A_567 = vector.broadcast %div3A_297 : vector<32x1xf32> to vector<32x8192xf32>
    %sub3A_568 = arith.subf %get3A_566, %sub3A_567 : vector<32x8192xf32>
    %mul3A_569 = vector.broadcast %div3A_388 : vector<32x1xf32> to vector<32x8192xf32>
    %mul3A_570 = arith.mulf %sub3A_568, %mul3A_569 : vector<32x8192xf32>
    %get3A_571 = arith.constant 0 : index
    %get3A_572 = arith.constant 0 : index
    %get3A_573 = vector.load %arg7[%get3A_571, %get3A_572] : memref<32x1xf32, #tpu.memory_space<vmem>>, vector<32x1xf32>
    %add3A_574 = vector.broadcast %get3A_573 : vector<32x1xf32> to vector<32x8192xf32>
    %add3A_575 = arith.addf %mul3A_570, %add3A_574 : vector<32x8192xf32>
    %max3A_576 = arith.constant 0.000000e+00 : f32
    %max3A_577 = vector.broadcast %max3A_576 : f32 to vector<32x8192xf32>
    %max3A_578 = arith.maximumf %add3A_575, %max3A_577 : vector<32x8192xf32>
    %dot_general3A_579 = arith.constant dense<0.000000e+00> : vector<64x8192xf32>
    %dot_general3A_580 = tpu.matmul %get3A_4, %max3A_578, %dot_general3A_579 {dimension_numbers = #tpu.dot_dimension_numbers<[1], [0], [0], [1], [0, 0, 1, 1], [], []>, transpose_lhs_hint = false} : vector<64x32xf32>, vector<32x8192xf32>, vector<64x8192xf32> -> vector<64x8192xf32>
    %get3A_581 = arith.constant 0 : index
    %get3A_582 = arith.constant 0 : index
    %get3A_583 = vector.load %arg9[%get3A_581, %get3A_582] : memref<64x1xf32, #tpu.memory_space<vmem>>, vector<64x1xf32>
    %add3A_584 = vector.broadcast %get3A_583 : vector<64x1xf32> to vector<64x8192xf32>
    %add3A_585 = arith.addf %dot_general3A_580, %add3A_584 : vector<64x8192xf32>
    %swap3A_586 = arith.constant 384 : index
    %swap3A_587 = arith.constant 0 : index
    %swap3A_588 = vector.load %arg14[%swap3A_586, %swap3A_587] : memref<512x8192xf32, #tpu.memory_space<vmem>>, vector<64x8192xf32>
    tpu.vector_store %arg14[%swap3A_586, %swap3A_587], %add3A_585 {strides = array<i32>} : memref<512x8192xf32, #tpu.memory_space<vmem>>, vector<64x8192xf32>,
    %reduce_sum3A_589 = arith.constant dense<0.000000e+00> : vector<64xf32>
    %reduce_sum3A_590 = vector.multi_reduction <add>, %add3A_585, %reduce_sum3A_589 [1] : vector<64x8192xf32> to vector<64xf32>
    %broadcast_in_dim3A_591 = vector.shape_cast %reduce_sum3A_590 : vector<64xf32> to vector<64x1xf32>
    %add3A_592 = arith.addf %add3A_563, %broadcast_in_dim3A_591 : vector<64x1xf32>
    %get3A_593 = arith.constant 224 : index
    %get3A_594 = arith.constant 0 : index
    %get3A_595 = vector.load %arg13[%get3A_593, %get3A_594] : memref<256x8192xf32, #tpu.memory_space<vmem>>, vector<32x8192xf32>
    %sub3A_596 = vector.broadcast %div3A_297 : vector<32x1xf32> to vector<32x8192xf32>
    %sub3A_597 = arith.subf %get3A_595, %sub3A_596 : vector<32x8192xf32>
    %mul3A_598 = vector.broadcast %div3A_388 : vector<32x1xf32> to vector<32x8192xf32>
    %mul3A_599 = arith.mulf %sub3A_597, %mul3A_598 : vector<32x8192xf32>
    %get3A_600 = arith.constant 0 : index
    %get3A_601 = arith.constant 0 : index
    %get3A_602 = vector.load %arg7[%get3A_600, %get3A_601] : memref<32x1xf32, #tpu.memory_space<vmem>>, vector<32x1xf32>
    %add3A_603 = vector.broadcast %get3A_602 : vector<32x1xf32> to vector<32x8192xf32>
    %add3A_604 = arith.addf %mul3A_599, %add3A_603 : vector<32x8192xf32>
    %max3A_605 = arith.constant 0.000000e+00 : f32
    %max3A_606 = vector.broadcast %max3A_605 : f32 to vector<32x8192xf32>
    %max3A_607 = arith.maximumf %add3A_604, %max3A_606 : vector<32x8192xf32>
    %dot_general3A_608 = arith.constant dense<0.000000e+00> : vector<64x8192xf32>
    %dot_general3A_609 = tpu.matmul %get3A_4, %max3A_607, %dot_general3A_608 {dimension_numbers = #tpu.dot_dimension_numbers<[1], [0], [0], [1], [0, 0, 1, 1], [], []>, transpose_lhs_hint = false} : vector<64x32xf32>, vector<32x8192xf32>, vector<64x8192xf32> -> vector<64x8192xf32>
    %get3A_610 = arith.constant 0 : index
    %get3A_611 = arith.constant 0 : index
    %get3A_612 = vector.load %arg9[%get3A_610, %get3A_611] : memref<64x1xf32, #tpu.memory_space<vmem>>, vector<64x1xf32>
    %add3A_613 = vector.broadcast %get3A_612 : vector<64x1xf32> to vector<64x8192xf32>
    %add3A_614 = arith.addf %dot_general3A_609, %add3A_613 : vector<64x8192xf32>
    %swap3A_615 = arith.constant 448 : index
    %swap3A_616 = arith.constant 0 : index
    %swap3A_617 = vector.load %arg14[%swap3A_615, %swap3A_616] : memref<512x8192xf32, #tpu.memory_space<vmem>>, vector<64x8192xf32>
    tpu.vector_store %arg14[%swap3A_615, %swap3A_616], %add3A_614 {strides = array<i32>} : memref<512x8192xf32, #tpu.memory_space<vmem>>, vector<64x8192xf32>,
    %reduce_sum3A_618 = arith.constant dense<0.000000e+00> : vector<64xf32>
    %reduce_sum3A_619 = vector.multi_reduction <add>, %add3A_614, %reduce_sum3A_618 [1] : vector<64x8192xf32> to vector<64xf32>
    %broadcast_in_dim3A_620 = vector.shape_cast %reduce_sum3A_619 : vector<64xf32> to vector<64x1xf32>
    %add3A_621 = arith.addf %add3A_592, %broadcast_in_dim3A_620 : vector<64x1xf32>
    %div3A_622 = arith.constant 6.553600e+04 : f32
    %div3A_623 = vector.broadcast %div3A_622 : f32 to vector<64x1xf32>
    %div3A_624 = arith.divf %add3A_621, %div3A_623 : vector<64x1xf32>
    %broadcast_in_dim3A_625 = arith.constant 0.000000e+00 : f32
    %broadcast_in_dim3A_626 = vector.broadcast %broadcast_in_dim3A_625 : f32 to vector<64x1xf32>
    %get3A_627 = arith.constant 0 : index
    %get3A_628 = arith.constant 0 : index
    %get3A_629 = vector.load %arg14[%get3A_627, %get3A_628] : memref<512x8192xf32, #tpu.memory_space<vmem>>, vector<64x8192xf32>
    %sub3A_630 = vector.broadcast %div3A_624 : vector<64x1xf32> to vector<64x8192xf32>
    %sub3A_631 = arith.subf %get3A_629, %sub3A_630 : vector<64x8192xf32>
    %mul3A_632 = arith.mulf %sub3A_631, %sub3A_631 : vector<64x8192xf32>
    %reduce_sum3A_633 = arith.constant dense<0.000000e+00> : vector<64xf32>
    %reduce_sum3A_634 = vector.multi_reduction <add>, %mul3A_632, %reduce_sum3A_633 [1] : vector<64x8192xf32> to vector<64xf32>
    %broadcast_in_dim3A_635 = vector.shape_cast %reduce_sum3A_634 : vector<64xf32> to vector<64x1xf32>
    %add3A_636 = arith.addf %broadcast_in_dim3A_626, %broadcast_in_dim3A_635 : vector<64x1xf32>
    %get3A_637 = arith.constant 64 : index
    %get3A_638 = arith.constant 0 : index
    %get3A_639 = vector.load %arg14[%get3A_637, %get3A_638] : memref<512x8192xf32, #tpu.memory_space<vmem>>, vector<64x8192xf32>
    %sub3A_640 = vector.broadcast %div3A_624 : vector<64x1xf32> to vector<64x8192xf32>
    %sub3A_641 = arith.subf %get3A_639, %sub3A_640 : vector<64x8192xf32>
    %mul3A_642 = arith.mulf %sub3A_641, %sub3A_641 : vector<64x8192xf32>
    %reduce_sum3A_643 = arith.constant dense<0.000000e+00> : vector<64xf32>
    %reduce_sum3A_644 = vector.multi_reduction <add>, %mul3A_642, %reduce_sum3A_643 [1] : vector<64x8192xf32> to vector<64xf32>
    %broadcast_in_dim3A_645 = vector.shape_cast %reduce_sum3A_644 : vector<64xf32> to vector<64x1xf32>
    %add3A_646 = arith.addf %add3A_636, %broadcast_in_dim3A_645 : vector<64x1xf32>
    %get3A_647 = arith.constant 128 : index
    %get3A_648 = arith.constant 0 : index
    %get3A_649 = vector.load %arg14[%get3A_647, %get3A_648] : memref<512x8192xf32, #tpu.memory_space<vmem>>, vector<64x8192xf32>
    %sub3A_650 = vector.broadcast %div3A_624 : vector<64x1xf32> to vector<64x8192xf32>
    %sub3A_651 = arith.subf %get3A_649, %sub3A_650 : vector<64x8192xf32>
    %mul3A_652 = arith.mulf %sub3A_651, %sub3A_651 : vector<64x8192xf32>
    %reduce_sum3A_653 = arith.constant dense<0.000000e+00> : vector<64xf32>
    %reduce_sum3A_654 = vector.multi_reduction <add>, %mul3A_652, %reduce_sum3A_653 [1] : vector<64x8192xf32> to vector<64xf32>
    %broadcast_in_dim3A_655 = vector.shape_cast %reduce_sum3A_654 : vector<64xf32> to vector<64x1xf32>
    %add3A_656 = arith.addf %add3A_646, %broadcast_in_dim3A_655 : vector<64x1xf32>
    %get3A_657 = arith.constant 192 : index
    %get3A_658 = arith.constant 0 : index
    %get3A_659 = vector.load %arg14[%get3A_657, %get3A_658] : memref<512x8192xf32, #tpu.memory_space<vmem>>, vector<64x8192xf32>
    %sub3A_660 = vector.broadcast %div3A_624 : vector<64x1xf32> to vector<64x8192xf32>
    %sub3A_661 = arith.subf %get3A_659, %sub3A_660 : vector<64x8192xf32>
    %mul3A_662 = arith.mulf %sub3A_661, %sub3A_661 : vector<64x8192xf32>
    %reduce_sum3A_663 = arith.constant dense<0.000000e+00> : vector<64xf32>
    %reduce_sum3A_664 = vector.multi_reduction <add>, %mul3A_662, %reduce_sum3A_663 [1] : vector<64x8192xf32> to vector<64xf32>
    %broadcast_in_dim3A_665 = vector.shape_cast %reduce_sum3A_664 : vector<64xf32> to vector<64x1xf32>
    %add3A_666 = arith.addf %add3A_656, %broadcast_in_dim3A_665 : vector<64x1xf32>
    %get3A_667 = arith.constant 256 : index
    %get3A_668 = arith.constant 0 : index
    %get3A_669 = vector.load %arg14[%get3A_667, %get3A_668] : memref<512x8192xf32, #tpu.memory_space<vmem>>, vector<64x8192xf32>
    %sub3A_670 = vector.broadcast %div3A_624 : vector<64x1xf32> to vector<64x8192xf32>
    %sub3A_671 = arith.subf %get3A_669, %sub3A_670 : vector<64x8192xf32>
    %mul3A_672 = arith.mulf %sub3A_671, %sub3A_671 : vector<64x8192xf32>
    %reduce_sum3A_673 = arith.constant dense<0.000000e+00> : vector<64xf32>
    %reduce_sum3A_674 = vector.multi_reduction <add>, %mul3A_672, %reduce_sum3A_673 [1] : vector<64x8192xf32> to vector<64xf32>
    %broadcast_in_dim3A_675 = vector.shape_cast %reduce_sum3A_674 : vector<64xf32> to vector<64x1xf32>
    %add3A_676 = arith.addf %add3A_666, %broadcast_in_dim3A_675 : vector<64x1xf32>
    %get3A_677 = arith.constant 320 : index
    %get3A_678 = arith.constant 0 : index
    %get3A_679 = vector.load %arg14[%get3A_677, %get3A_678] : memref<512x8192xf32, #tpu.memory_space<vmem>>, vector<64x8192xf32>
    %sub3A_680 = vector.broadcast %div3A_624 : vector<64x1xf32> to vector<64x8192xf32>
    %sub3A_681 = arith.subf %get3A_679, %sub3A_680 : vector<64x8192xf32>
    %mul3A_682 = arith.mulf %sub3A_681, %sub3A_681 : vector<64x8192xf32>
    %reduce_sum3A_683 = arith.constant dense<0.000000e+00> : vector<64xf32>
    %reduce_sum3A_684 = vector.multi_reduction <add>, %mul3A_682, %reduce_sum3A_683 [1] : vector<64x8192xf32> to vector<64xf32>
    %broadcast_in_dim3A_685 = vector.shape_cast %reduce_sum3A_684 : vector<64xf32> to vector<64x1xf32>
    %add3A_686 = arith.addf %add3A_676, %broadcast_in_dim3A_685 : vector<64x1xf32>
    %get3A_687 = arith.constant 384 : index
    %get3A_688 = arith.constant 0 : index
    %get3A_689 = vector.load %arg14[%get3A_687, %get3A_688] : memref<512x8192xf32, #tpu.memory_space<vmem>>, vector<64x8192xf32>
    %sub3A_690 = vector.broadcast %div3A_624 : vector<64x1xf32> to vector<64x8192xf32>
    %sub3A_691 = arith.subf %get3A_689, %sub3A_690 : vector<64x8192xf32>
    %mul3A_692 = arith.mulf %sub3A_691, %sub3A_691 : vector<64x8192xf32>
    %reduce_sum3A_693 = arith.constant dense<0.000000e+00> : vector<64xf32>
    %reduce_sum3A_694 = vector.multi_reduction <add>, %mul3A_692, %reduce_sum3A_693 [1] : vector<64x8192xf32> to vector<64xf32>
    %broadcast_in_dim3A_695 = vector.shape_cast %reduce_sum3A_694 : vector<64xf32> to vector<64x1xf32>
    %add3A_696 = arith.addf %add3A_686, %broadcast_in_dim3A_695 : vector<64x1xf32>
    %get3A_697 = arith.constant 448 : index
    %get3A_698 = arith.constant 0 : index
    %get3A_699 = vector.load %arg14[%get3A_697, %get3A_698] : memref<512x8192xf32, #tpu.memory_space<vmem>>, vector<64x8192xf32>
    %sub3A_700 = vector.broadcast %div3A_624 : vector<64x1xf32> to vector<64x8192xf32>
    %sub3A_701 = arith.subf %get3A_699, %sub3A_700 : vector<64x8192xf32>
    %mul3A_702 = arith.mulf %sub3A_701, %sub3A_701 : vector<64x8192xf32>
    %reduce_sum3A_703 = arith.constant dense<0.000000e+00> : vector<64xf32>
    %reduce_sum3A_704 = vector.multi_reduction <add>, %mul3A_702, %reduce_sum3A_703 [1] : vector<64x8192xf32> to vector<64xf32>
    %broadcast_in_dim3A_705 = vector.shape_cast %reduce_sum3A_704 : vector<64xf32> to vector<64x1xf32>
    %add3A_706 = arith.addf %add3A_696, %broadcast_in_dim3A_705 : vector<64x1xf32>
    %get3A_707 = arith.constant 0 : index
    %get3A_708 = arith.constant 0 : index
    %get3A_709 = vector.load %arg10[%get3A_707, %get3A_708] : memref<64x1xf32, #tpu.memory_space<vmem>>, vector<64x1xf32>
    %div3A_710 = arith.constant 6.553600e+04 : f32
    %div3A_711 = vector.broadcast %div3A_710 : f32 to vector<64x1xf32>
    %div3A_712 = arith.divf %add3A_706, %div3A_711 : vector<64x1xf32>
    %add3A_713 = arith.constant 9.99999974E-6 : f32
    %add3A_714 = vector.broadcast %add3A_713 : f32 to vector<64x1xf32>
    %add3A_715 = arith.addf %div3A_712, %add3A_714 : vector<64x1xf32>
    %sqrt3A_716 = math.sqrt %add3A_715 : vector<64x1xf32>
    %div3A_717 = arith.divf %get3A_709, %sqrt3A_716 : vector<64x1xf32>
    %get3A_718 = arith.constant 0 : index
    %get3A_719 = arith.constant 0 : index
    %get3A_720 = vector.load %arg14[%get3A_718, %get3A_719] : memref<512x8192xf32, #tpu.memory_space<vmem>>, vector<64x8192xf32>
    %sub3A_721 = vector.broadcast %div3A_624 : vector<64x1xf32> to vector<64x8192xf32>
    %sub3A_722 = arith.subf %get3A_720, %sub3A_721 : vector<64x8192xf32>
    %mul3A_723 = vector.broadcast %div3A_717 : vector<64x1xf32> to vector<64x8192xf32>
    %mul3A_724 = arith.mulf %sub3A_722, %mul3A_723 : vector<64x8192xf32>
    %get3A_725 = arith.constant 0 : index
    %get3A_726 = arith.constant 0 : index
    %get3A_727 = vector.load %arg11[%get3A_725, %get3A_726] : memref<64x1xf32, #tpu.memory_space<vmem>>, vector<64x1xf32>
    %add3A_728 = vector.broadcast %get3A_727 : vector<64x1xf32> to vector<64x8192xf32>
    %add3A_729 = arith.addf %mul3A_724, %add3A_728 : vector<64x8192xf32>
    %max3A_730 = arith.constant 0.000000e+00 : f32
    %max3A_731 = vector.broadcast %max3A_730 : f32 to vector<64x8192xf32>
    %max3A_732 = arith.maximumf %add3A_729, %max3A_731 : vector<64x8192xf32>
    %slice3A = vector.extract_strided_slice %max3A_732 {offsets = [0, 0], sizes = [64, 256], strides = [1, 1]} : vector<64x8192xf32> to vector<64x256xf32>
    %slice3A_733 = vector.extract_strided_slice %max3A_732 {offsets = [0, 256], sizes = [64, 256], strides = [1, 1]} : vector<64x8192xf32> to vector<64x256xf32>
    %max3A_734 = arith.maximumf %slice3A, %slice3A_733 : vector<64x256xf32>
    %slice3A_735 = vector.extract_strided_slice %max3A_732 {offsets = [0, 512], sizes = [64, 256], strides = [1, 1]} : vector<64x8192xf32> to vector<64x256xf32>
    %max3A_736 = arith.maximumf %max3A_734, %slice3A_735 : vector<64x256xf32>
    %slice3A_737 = vector.extract_strided_slice %max3A_732 {offsets = [0, 768], sizes = [64, 256], strides = [1, 1]} : vector<64x8192xf32> to vector<64x256xf32>
    %max3A_738 = arith.maximumf %max3A_736, %slice3A_737 : vector<64x256xf32>
    %slice3A_739 = vector.extract_strided_slice %max3A_732 {offsets = [0, 1024], sizes = [64, 256], strides = [1, 1]} : vector<64x8192xf32> to vector<64x256xf32>
    %max3A_740 = arith.maximumf %max3A_738, %slice3A_739 : vector<64x256xf32>
    %slice3A_741 = vector.extract_strided_slice %max3A_732 {offsets = [0, 1280], sizes = [64, 256], strides = [1, 1]} : vector<64x8192xf32> to vector<64x256xf32>
    %max3A_742 = arith.maximumf %max3A_740, %slice3A_741 : vector<64x256xf32>
    %slice3A_743 = vector.extract_strided_slice %max3A_732 {offsets = [0, 1536], sizes = [64, 256], strides = [1, 1]} : vector<64x8192xf32> to vector<64x256xf32>
    %max3A_744 = arith.maximumf %max3A_742, %slice3A_743 : vector<64x256xf32>
    %slice3A_745 = vector.extract_strided_slice %max3A_732 {offsets = [0, 1792], sizes = [64, 256], strides = [1, 1]} : vector<64x8192xf32> to vector<64x256xf32>
    %max3A_746 = arith.maximumf %max3A_744, %slice3A_745 : vector<64x256xf32>
    %slice3A_747 = vector.extract_strided_slice %max3A_732 {offsets = [0, 2048], sizes = [64, 256], strides = [1, 1]} : vector<64x8192xf32> to vector<64x256xf32>
    %max3A_748 = arith.maximumf %max3A_746, %slice3A_747 : vector<64x256xf32>
    %slice3A_749 = vector.extract_strided_slice %max3A_732 {offsets = [0, 2304], sizes = [64, 256], strides = [1, 1]} : vector<64x8192xf32> to vector<64x256xf32>
    %max3A_750 = arith.maximumf %max3A_748, %slice3A_749 : vector<64x256xf32>
    %slice3A_751 = vector.extract_strided_slice %max3A_732 {offsets = [0, 2560], sizes = [64, 256], strides = [1, 1]} : vector<64x8192xf32> to vector<64x256xf32>
    %max3A_752 = arith.maximumf %max3A_750, %slice3A_751 : vector<64x256xf32>
    %slice3A_753 = vector.extract_strided_slice %max3A_732 {offsets = [0, 2816], sizes = [64, 256], strides = [1, 1]} : vector<64x8192xf32> to vector<64x256xf32>
    %max3A_754 = arith.maximumf %max3A_752, %slice3A_753 : vector<64x256xf32>
    %slice3A_755 = vector.extract_strided_slice %max3A_732 {offsets = [0, 3072], sizes = [64, 256], strides = [1, 1]} : vector<64x8192xf32> to vector<64x256xf32>
    %max3A_756 = arith.maximumf %max3A_754, %slice3A_755 : vector<64x256xf32>
    %slice3A_757 = vector.extract_strided_slice %max3A_732 {offsets = [0, 3328], sizes = [64, 256], strides = [1, 1]} : vector<64x8192xf32> to vector<64x256xf32>
    %max3A_758 = arith.maximumf %max3A_756, %slice3A_757 : vector<64x256xf32>
    %slice3A_759 = vector.extract_strided_slice %max3A_732 {offsets = [0, 3584], sizes = [64, 256], strides = [1, 1]} : vector<64x8192xf32> to vector<64x256xf32>
    %max3A_760 = arith.maximumf %max3A_758, %slice3A_759 : vector<64x256xf32>
    %slice3A_761 = vector.extract_strided_slice %max3A_732 {offsets = [0, 3840], sizes = [64, 256], strides = [1, 1]} : vector<64x8192xf32> to vector<64x256xf32>
    %max3A_762 = arith.maximumf %max3A_760, %slice3A_761 : vector<64x256xf32>
    %slice3A_763 = vector.extract_strided_slice %max3A_732 {offsets = [0, 4096], sizes = [64, 256], strides = [1, 1]} : vector<64x8192xf32> to vector<64x256xf32>
    %max3A_764 = arith.maximumf %max3A_762, %slice3A_763 : vector<64x256xf32>
    %slice3A_765 = vector.extract_strided_slice %max3A_732 {offsets = [0, 4352], sizes = [64, 256], strides = [1, 1]} : vector<64x8192xf32> to vector<64x256xf32>
    %max3A_766 = arith.maximumf %max3A_764, %slice3A_765 : vector<64x256xf32>
    %slice3A_767 = vector.extract_strided_slice %max3A_732 {offsets = [0, 4608], sizes = [64, 256], strides = [1, 1]} : vector<64x8192xf32> to vector<64x256xf32>
    %max3A_768 = arith.maximumf %max3A_766, %slice3A_767 : vector<64x256xf32>
    %slice3A_769 = vector.extract_strided_slice %max3A_732 {offsets = [0, 4864], sizes = [64, 256], strides = [1, 1]} : vector<64x8192xf32> to vector<64x256xf32>
    %max3A_770 = arith.maximumf %max3A_768, %slice3A_769 : vector<64x256xf32>
    %slice3A_771 = vector.extract_strided_slice %max3A_732 {offsets = [0, 5120], sizes = [64, 256], strides = [1, 1]} : vector<64x8192xf32> to vector<64x256xf32>
    %max3A_772 = arith.maximumf %max3A_770, %slice3A_771 : vector<64x256xf32>
    %slice3A_773 = vector.extract_strided_slice %max3A_732 {offsets = [0, 5376], sizes = [64, 256], strides = [1, 1]} : vector<64x8192xf32> to vector<64x256xf32>
    %max3A_774 = arith.maximumf %max3A_772, %slice3A_773 : vector<64x256xf32>
    %slice3A_775 = vector.extract_strided_slice %max3A_732 {offsets = [0, 5632], sizes = [64, 256], strides = [1, 1]} : vector<64x8192xf32> to vector<64x256xf32>
    %max3A_776 = arith.maximumf %max3A_774, %slice3A_775 : vector<64x256xf32>
    %slice3A_777 = vector.extract_strided_slice %max3A_732 {offsets = [0, 5888], sizes = [64, 256], strides = [1, 1]} : vector<64x8192xf32> to vector<64x256xf32>
    %max3A_778 = arith.maximumf %max3A_776, %slice3A_777 : vector<64x256xf32>
    %slice3A_779 = vector.extract_strided_slice %max3A_732 {offsets = [0, 6144], sizes = [64, 256], strides = [1, 1]} : vector<64x8192xf32> to vector<64x256xf32>
    %max3A_780 = arith.maximumf %max3A_778, %slice3A_779 : vector<64x256xf32>
    %slice3A_781 = vector.extract_strided_slice %max3A_732 {offsets = [0, 6400], sizes = [64, 256], strides = [1, 1]} : vector<64x8192xf32> to vector<64x256xf32>
    %max3A_782 = arith.maximumf %max3A_780, %slice3A_781 : vector<64x256xf32>
    %slice3A_783 = vector.extract_strided_slice %max3A_732 {offsets = [0, 6656], sizes = [64, 256], strides = [1, 1]} : vector<64x8192xf32> to vector<64x256xf32>
    %max3A_784 = arith.maximumf %max3A_782, %slice3A_783 : vector<64x256xf32>
    %slice3A_785 = vector.extract_strided_slice %max3A_732 {offsets = [0, 6912], sizes = [64, 256], strides = [1, 1]} : vector<64x8192xf32> to vector<64x256xf32>
    %max3A_786 = arith.maximumf %max3A_784, %slice3A_785 : vector<64x256xf32>
    %slice3A_787 = vector.extract_strided_slice %max3A_732 {offsets = [0, 7168], sizes = [64, 256], strides = [1, 1]} : vector<64x8192xf32> to vector<64x256xf32>
    %max3A_788 = arith.maximumf %max3A_786, %slice3A_787 : vector<64x256xf32>
    %slice3A_789 = vector.extract_strided_slice %max3A_732 {offsets = [0, 7424], sizes = [64, 256], strides = [1, 1]} : vector<64x8192xf32> to vector<64x256xf32>
    %max3A_790 = arith.maximumf %max3A_788, %slice3A_789 : vector<64x256xf32>
    %slice3A_791 = vector.extract_strided_slice %max3A_732 {offsets = [0, 7680], sizes = [64, 256], strides = [1, 1]} : vector<64x8192xf32> to vector<64x256xf32>
    %max3A_792 = arith.maximumf %max3A_790, %slice3A_791 : vector<64x256xf32>
    %slice3A_793 = vector.extract_strided_slice %max3A_732 {offsets = [0, 7936], sizes = [64, 256], strides = [1, 1]} : vector<64x8192xf32> to vector<64x256xf32>
    %max3A_794 = arith.maximumf %max3A_792, %slice3A_793 : vector<64x256xf32>
    %swap3A_795 = arith.constant 0 : index
    %swap3A_796 = arith.constant 0 : index
    %swap3A_797 = arith.constant 0 : index
    %swap3A_798 = vector.load %arg12[%swap3A_795, %swap3A_796, %swap3A_797] : memref<8x64x256xf32, #tpu.memory_space<vmem>>, vector<1x64x256xf32>
    %swap3A_799 = vector.shape_cast %swap3A_798 : vector<1x64x256xf32> to vector<64x256xf32>
    %swap3A_800 = vector.shape_cast %max3A_794 : vector<64x256xf32> to vector<1x64x256xf32>
    tpu.vector_store %arg12[%swap3A_795, %swap3A_796, %swap3A_797], %swap3A_800 {strides = array<i32>} : memref<8x64x256xf32, #tpu.memory_space<vmem>>, vector<1x64x256xf32>,
    %get3A_801 = arith.constant 64 : index
    %get3A_802 = arith.constant 0 : index
    %get3A_803 = vector.load %arg14[%get3A_801, %get3A_802] : memref<512x8192xf32, #tpu.memory_space<vmem>>, vector<64x8192xf32>
    %sub3A_804 = vector.broadcast %div3A_624 : vector<64x1xf32> to vector<64x8192xf32>
    %sub3A_805 = arith.subf %get3A_803, %sub3A_804 : vector<64x8192xf32>
    %mul3A_806 = vector.broadcast %div3A_717 : vector<64x1xf32> to vector<64x8192xf32>
    %mul3A_807 = arith.mulf %sub3A_805, %mul3A_806 : vector<64x8192xf32>
    %get3A_808 = arith.constant 0 : index
    %get3A_809 = arith.constant 0 : index
    %get3A_810 = vector.load %arg11[%get3A_808, %get3A_809] : memref<64x1xf32, #tpu.memory_space<vmem>>, vector<64x1xf32>
    %add3A_811 = vector.broadcast %get3A_810 : vector<64x1xf32> to vector<64x8192xf32>
    %add3A_812 = arith.addf %mul3A_807, %add3A_811 : vector<64x8192xf32>
    %max3A_813 = arith.constant 0.000000e+00 : f32
    %max3A_814 = vector.broadcast %max3A_813 : f32 to vector<64x8192xf32>
    %max3A_815 = arith.maximumf %add3A_812, %max3A_814 : vector<64x8192xf32>
    %slice3A_816 = vector.extract_strided_slice %max3A_815 {offsets = [0, 0], sizes = [64, 256], strides = [1, 1]} : vector<64x8192xf32> to vector<64x256xf32>
    %slice3A_817 = vector.extract_strided_slice %max3A_815 {offsets = [0, 256], sizes = [64, 256], strides = [1, 1]} : vector<64x8192xf32> to vector<64x256xf32>
    %max3A_818 = arith.maximumf %slice3A_816, %slice3A_817 : vector<64x256xf32>
    %slice3A_819 = vector.extract_strided_slice %max3A_815 {offsets = [0, 512], sizes = [64, 256], strides = [1, 1]} : vector<64x8192xf32> to vector<64x256xf32>
    %max3A_820 = arith.maximumf %max3A_818, %slice3A_819 : vector<64x256xf32>
    %slice3A_821 = vector.extract_strided_slice %max3A_815 {offsets = [0, 768], sizes = [64, 256], strides = [1, 1]} : vector<64x8192xf32> to vector<64x256xf32>
    %max3A_822 = arith.maximumf %max3A_820, %slice3A_821 : vector<64x256xf32>
    %slice3A_823 = vector.extract_strided_slice %max3A_815 {offsets = [0, 1024], sizes = [64, 256], strides = [1, 1]} : vector<64x8192xf32> to vector<64x256xf32>
    %max3A_824 = arith.maximumf %max3A_822, %slice3A_823 : vector<64x256xf32>
    %slice3A_825 = vector.extract_strided_slice %max3A_815 {offsets = [0, 1280], sizes = [64, 256], strides = [1, 1]} : vector<64x8192xf32> to vector<64x256xf32>
    %max3A_826 = arith.maximumf %max3A_824, %slice3A_825 : vector<64x256xf32>
    %slice3A_827 = vector.extract_strided_slice %max3A_815 {offsets = [0, 1536], sizes = [64, 256], strides = [1, 1]} : vector<64x8192xf32> to vector<64x256xf32>
    %max3A_828 = arith.maximumf %max3A_826, %slice3A_827 : vector<64x256xf32>
    %slice3A_829 = vector.extract_strided_slice %max3A_815 {offsets = [0, 1792], sizes = [64, 256], strides = [1, 1]} : vector<64x8192xf32> to vector<64x256xf32>
    %max3A_830 = arith.maximumf %max3A_828, %slice3A_829 : vector<64x256xf32>
    %slice3A_831 = vector.extract_strided_slice %max3A_815 {offsets = [0, 2048], sizes = [64, 256], strides = [1, 1]} : vector<64x8192xf32> to vector<64x256xf32>
    %max3A_832 = arith.maximumf %max3A_830, %slice3A_831 : vector<64x256xf32>
    %slice3A_833 = vector.extract_strided_slice %max3A_815 {offsets = [0, 2304], sizes = [64, 256], strides = [1, 1]} : vector<64x8192xf32> to vector<64x256xf32>
    %max3A_834 = arith.maximumf %max3A_832, %slice3A_833 : vector<64x256xf32>
    %slice3A_835 = vector.extract_strided_slice %max3A_815 {offsets = [0, 2560], sizes = [64, 256], strides = [1, 1]} : vector<64x8192xf32> to vector<64x256xf32>
    %max3A_836 = arith.maximumf %max3A_834, %slice3A_835 : vector<64x256xf32>
    %slice3A_837 = vector.extract_strided_slice %max3A_815 {offsets = [0, 2816], sizes = [64, 256], strides = [1, 1]} : vector<64x8192xf32> to vector<64x256xf32>
    %max3A_838 = arith.maximumf %max3A_836, %slice3A_837 : vector<64x256xf32>
    %slice3A_839 = vector.extract_strided_slice %max3A_815 {offsets = [0, 3072], sizes = [64, 256], strides = [1, 1]} : vector<64x8192xf32> to vector<64x256xf32>
    %max3A_840 = arith.maximumf %max3A_838, %slice3A_839 : vector<64x256xf32>
    %slice3A_841 = vector.extract_strided_slice %max3A_815 {offsets = [0, 3328], sizes = [64, 256], strides = [1, 1]} : vector<64x8192xf32> to vector<64x256xf32>
    %max3A_842 = arith.maximumf %max3A_840, %slice3A_841 : vector<64x256xf32>
    %slice3A_843 = vector.extract_strided_slice %max3A_815 {offsets = [0, 3584], sizes = [64, 256], strides = [1, 1]} : vector<64x8192xf32> to vector<64x256xf32>
    %max3A_844 = arith.maximumf %max3A_842, %slice3A_843 : vector<64x256xf32>
    %slice3A_845 = vector.extract_strided_slice %max3A_815 {offsets = [0, 3840], sizes = [64, 256], strides = [1, 1]} : vector<64x8192xf32> to vector<64x256xf32>
    %max3A_846 = arith.maximumf %max3A_844, %slice3A_845 : vector<64x256xf32>
    %slice3A_847 = vector.extract_strided_slice %max3A_815 {offsets = [0, 4096], sizes = [64, 256], strides = [1, 1]} : vector<64x8192xf32> to vector<64x256xf32>
    %max3A_848 = arith.maximumf %max3A_846, %slice3A_847 : vector<64x256xf32>
    %slice3A_849 = vector.extract_strided_slice %max3A_815 {offsets = [0, 4352], sizes = [64, 256], strides = [1, 1]} : vector<64x8192xf32> to vector<64x256xf32>
    %max3A_850 = arith.maximumf %max3A_848, %slice3A_849 : vector<64x256xf32>
    %slice3A_851 = vector.extract_strided_slice %max3A_815 {offsets = [0, 4608], sizes = [64, 256], strides = [1, 1]} : vector<64x8192xf32> to vector<64x256xf32>
    %max3A_852 = arith.maximumf %max3A_850, %slice3A_851 : vector<64x256xf32>
    %slice3A_853 = vector.extract_strided_slice %max3A_815 {offsets = [0, 4864], sizes = [64, 256], strides = [1, 1]} : vector<64x8192xf32> to vector<64x256xf32>
    %max3A_854 = arith.maximumf %max3A_852, %slice3A_853 : vector<64x256xf32>
    %slice3A_855 = vector.extract_strided_slice %max3A_815 {offsets = [0, 5120], sizes = [64, 256], strides = [1, 1]} : vector<64x8192xf32> to vector<64x256xf32>
    %max3A_856 = arith.maximumf %max3A_854, %slice3A_855 : vector<64x256xf32>
    %slice3A_857 = vector.extract_strided_slice %max3A_815 {offsets = [0, 5376], sizes = [64, 256], strides = [1, 1]} : vector<64x8192xf32> to vector<64x256xf32>
    %max3A_858 = arith.maximumf %max3A_856, %slice3A_857 : vector<64x256xf32>
    %slice3A_859 = vector.extract_strided_slice %max3A_815 {offsets = [0, 5632], sizes = [64, 256], strides = [1, 1]} : vector<64x8192xf32> to vector<64x256xf32>
    %max3A_860 = arith.maximumf %max3A_858, %slice3A_859 : vector<64x256xf32>
    %slice3A_861 = vector.extract_strided_slice %max3A_815 {offsets = [0, 5888], sizes = [64, 256], strides = [1, 1]} : vector<64x8192xf32> to vector<64x256xf32>
    %max3A_862 = arith.maximumf %max3A_860, %slice3A_861 : vector<64x256xf32>
    %slice3A_863 = vector.extract_strided_slice %max3A_815 {offsets = [0, 6144], sizes = [64, 256], strides = [1, 1]} : vector<64x8192xf32> to vector<64x256xf32>
    %max3A_864 = arith.maximumf %max3A_862, %slice3A_863 : vector<64x256xf32>
    %slice3A_865 = vector.extract_strided_slice %max3A_815 {offsets = [0, 6400], sizes = [64, 256], strides = [1, 1]} : vector<64x8192xf32> to vector<64x256xf32>
    %max3A_866 = arith.maximumf %max3A_864, %slice3A_865 : vector<64x256xf32>
    %slice3A_867 = vector.extract_strided_slice %max3A_815 {offsets = [0, 6656], sizes = [64, 256], strides = [1, 1]} : vector<64x8192xf32> to vector<64x256xf32>
    %max3A_868 = arith.maximumf %max3A_866, %slice3A_867 : vector<64x256xf32>
    %slice3A_869 = vector.extract_strided_slice %max3A_815 {offsets = [0, 6912], sizes = [64, 256], strides = [1, 1]} : vector<64x8192xf32> to vector<64x256xf32>
    %max3A_870 = arith.maximumf %max3A_868, %slice3A_869 : vector<64x256xf32>
    %slice3A_871 = vector.extract_strided_slice %max3A_815 {offsets = [0, 7168], sizes = [64, 256], strides = [1, 1]} : vector<64x8192xf32> to vector<64x256xf32>
    %max3A_872 = arith.maximumf %max3A_870, %slice3A_871 : vector<64x256xf32>
    %slice3A_873 = vector.extract_strided_slice %max3A_815 {offsets = [0, 7424], sizes = [64, 256], strides = [1, 1]} : vector<64x8192xf32> to vector<64x256xf32>
    %max3A_874 = arith.maximumf %max3A_872, %slice3A_873 : vector<64x256xf32>
    %slice3A_875 = vector.extract_strided_slice %max3A_815 {offsets = [0, 7680], sizes = [64, 256], strides = [1, 1]} : vector<64x8192xf32> to vector<64x256xf32>
    %max3A_876 = arith.maximumf %max3A_874, %slice3A_875 : vector<64x256xf32>
    %slice3A_877 = vector.extract_strided_slice %max3A_815 {offsets = [0, 7936], sizes = [64, 256], strides = [1, 1]} : vector<64x8192xf32> to vector<64x256xf32>
    %max3A_878 = arith.maximumf %max3A_876, %slice3A_877 : vector<64x256xf32>
    %swap3A_879 = arith.constant 1 : index
    %swap3A_880 = arith.constant 0 : index
    %swap3A_881 = arith.constant 0 : index
    %swap3A_882 = vector.load %arg12[%swap3A_879, %swap3A_880, %swap3A_881] : memref<8x64x256xf32, #tpu.memory_space<vmem>>, vector<1x64x256xf32>
    %swap3A_883 = vector.shape_cast %swap3A_882 : vector<1x64x256xf32> to vector<64x256xf32>
    %swap3A_884 = vector.shape_cast %max3A_878 : vector<64x256xf32> to vector<1x64x256xf32>
    tpu.vector_store %arg12[%swap3A_879, %swap3A_880, %swap3A_881], %swap3A_884 {strides = array<i32>} : memref<8x64x256xf32, #tpu.memory_space<vmem>>, vector<1x64x256xf32>,
    %get3A_885 = arith.constant 128 : index
    %get3A_886 = arith.constant 0 : index
    %get3A_887 = vector.load %arg14[%get3A_885, %get3A_886] : memref<512x8192xf32, #tpu.memory_space<vmem>>, vector<64x8192xf32>
    %sub3A_888 = vector.broadcast %div3A_624 : vector<64x1xf32> to vector<64x8192xf32>
    %sub3A_889 = arith.subf %get3A_887, %sub3A_888 : vector<64x8192xf32>
    %mul3A_890 = vector.broadcast %div3A_717 : vector<64x1xf32> to vector<64x8192xf32>
    %mul3A_891 = arith.mulf %sub3A_889, %mul3A_890 : vector<64x8192xf32>
    %get3A_892 = arith.constant 0 : index
    %get3A_893 = arith.constant 0 : index
    %get3A_894 = vector.load %arg11[%get3A_892, %get3A_893] : memref<64x1xf32, #tpu.memory_space<vmem>>, vector<64x1xf32>
    %add3A_895 = vector.broadcast %get3A_894 : vector<64x1xf32> to vector<64x8192xf32>
    %add3A_896 = arith.addf %mul3A_891, %add3A_895 : vector<64x8192xf32>
    %max3A_897 = arith.constant 0.000000e+00 : f32
    %max3A_898 = vector.broadcast %max3A_897 : f32 to vector<64x8192xf32>
    %max3A_899 = arith.maximumf %add3A_896, %max3A_898 : vector<64x8192xf32>
    %slice3A_900 = vector.extract_strided_slice %max3A_899 {offsets = [0, 0], sizes = [64, 256], strides = [1, 1]} : vector<64x8192xf32> to vector<64x256xf32>
    %slice3A_901 = vector.extract_strided_slice %max3A_899 {offsets = [0, 256], sizes = [64, 256], strides = [1, 1]} : vector<64x8192xf32> to vector<64x256xf32>
    %max3A_902 = arith.maximumf %slice3A_900, %slice3A_901 : vector<64x256xf32>
    %slice3A_903 = vector.extract_strided_slice %max3A_899 {offsets = [0, 512], sizes = [64, 256], strides = [1, 1]} : vector<64x8192xf32> to vector<64x256xf32>
    %max3A_904 = arith.maximumf %max3A_902, %slice3A_903 : vector<64x256xf32>
    %slice3A_905 = vector.extract_strided_slice %max3A_899 {offsets = [0, 768], sizes = [64, 256], strides = [1, 1]} : vector<64x8192xf32> to vector<64x256xf32>
    %max3A_906 = arith.maximumf %max3A_904, %slice3A_905 : vector<64x256xf32>
    %slice3A_907 = vector.extract_strided_slice %max3A_899 {offsets = [0, 1024], sizes = [64, 256], strides = [1, 1]} : vector<64x8192xf32> to vector<64x256xf32>
    %max3A_908 = arith.maximumf %max3A_906, %slice3A_907 : vector<64x256xf32>
    %slice3A_909 = vector.extract_strided_slice %max3A_899 {offsets = [0, 1280], sizes = [64, 256], strides = [1, 1]} : vector<64x8192xf32> to vector<64x256xf32>
    %max3A_910 = arith.maximumf %max3A_908, %slice3A_909 : vector<64x256xf32>
    %slice3A_911 = vector.extract_strided_slice %max3A_899 {offsets = [0, 1536], sizes = [64, 256], strides = [1, 1]} : vector<64x8192xf32> to vector<64x256xf32>
    %max3A_912 = arith.maximumf %max3A_910, %slice3A_911 : vector<64x256xf32>
    %slice3A_913 = vector.extract_strided_slice %max3A_899 {offsets = [0, 1792], sizes = [64, 256], strides = [1, 1]} : vector<64x8192xf32> to vector<64x256xf32>
    %max3A_914 = arith.maximumf %max3A_912, %slice3A_913 : vector<64x256xf32>
    %slice3A_915 = vector.extract_strided_slice %max3A_899 {offsets = [0, 2048], sizes = [64, 256], strides = [1, 1]} : vector<64x8192xf32> to vector<64x256xf32>
    %max3A_916 = arith.maximumf %max3A_914, %slice3A_915 : vector<64x256xf32>
    %slice3A_917 = vector.extract_strided_slice %max3A_899 {offsets = [0, 2304], sizes = [64, 256], strides = [1, 1]} : vector<64x8192xf32> to vector<64x256xf32>
    %max3A_918 = arith.maximumf %max3A_916, %slice3A_917 : vector<64x256xf32>
    %slice3A_919 = vector.extract_strided_slice %max3A_899 {offsets = [0, 2560], sizes = [64, 256], strides = [1, 1]} : vector<64x8192xf32> to vector<64x256xf32>
    %max3A_920 = arith.maximumf %max3A_918, %slice3A_919 : vector<64x256xf32>
    %slice3A_921 = vector.extract_strided_slice %max3A_899 {offsets = [0, 2816], sizes = [64, 256], strides = [1, 1]} : vector<64x8192xf32> to vector<64x256xf32>
    %max3A_922 = arith.maximumf %max3A_920, %slice3A_921 : vector<64x256xf32>
    %slice3A_923 = vector.extract_strided_slice %max3A_899 {offsets = [0, 3072], sizes = [64, 256], strides = [1, 1]} : vector<64x8192xf32> to vector<64x256xf32>
    %max3A_924 = arith.maximumf %max3A_922, %slice3A_923 : vector<64x256xf32>
    %slice3A_925 = vector.extract_strided_slice %max3A_899 {offsets = [0, 3328], sizes = [64, 256], strides = [1, 1]} : vector<64x8192xf32> to vector<64x256xf32>
    %max3A_926 = arith.maximumf %max3A_924, %slice3A_925 : vector<64x256xf32>
    %slice3A_927 = vector.extract_strided_slice %max3A_899 {offsets = [0, 3584], sizes = [64, 256], strides = [1, 1]} : vector<64x8192xf32> to vector<64x256xf32>
    %max3A_928 = arith.maximumf %max3A_926, %slice3A_927 : vector<64x256xf32>
    %slice3A_929 = vector.extract_strided_slice %max3A_899 {offsets = [0, 3840], sizes = [64, 256], strides = [1, 1]} : vector<64x8192xf32> to vector<64x256xf32>
    %max3A_930 = arith.maximumf %max3A_928, %slice3A_929 : vector<64x256xf32>
    %slice3A_931 = vector.extract_strided_slice %max3A_899 {offsets = [0, 4096], sizes = [64, 256], strides = [1, 1]} : vector<64x8192xf32> to vector<64x256xf32>
    %max3A_932 = arith.maximumf %max3A_930, %slice3A_931 : vector<64x256xf32>
    %slice3A_933 = vector.extract_strided_slice %max3A_899 {offsets = [0, 4352], sizes = [64, 256], strides = [1, 1]} : vector<64x8192xf32> to vector<64x256xf32>
    %max3A_934 = arith.maximumf %max3A_932, %slice3A_933 : vector<64x256xf32>
    %slice3A_935 = vector.extract_strided_slice %max3A_899 {offsets = [0, 4608], sizes = [64, 256], strides = [1, 1]} : vector<64x8192xf32> to vector<64x256xf32>
    %max3A_936 = arith.maximumf %max3A_934, %slice3A_935 : vector<64x256xf32>
    %slice3A_937 = vector.extract_strided_slice %max3A_899 {offsets = [0, 4864], sizes = [64, 256], strides = [1, 1]} : vector<64x8192xf32> to vector<64x256xf32>
    %max3A_938 = arith.maximumf %max3A_936, %slice3A_937 : vector<64x256xf32>
    %slice3A_939 = vector.extract_strided_slice %max3A_899 {offsets = [0, 5120], sizes = [64, 256], strides = [1, 1]} : vector<64x8192xf32> to vector<64x256xf32>
    %max3A_940 = arith.maximumf %max3A_938, %slice3A_939 : vector<64x256xf32>
    %slice3A_941 = vector.extract_strided_slice %max3A_899 {offsets = [0, 5376], sizes = [64, 256], strides = [1, 1]} : vector<64x8192xf32> to vector<64x256xf32>
    %max3A_942 = arith.maximumf %max3A_940, %slice3A_941 : vector<64x256xf32>
    %slice3A_943 = vector.extract_strided_slice %max3A_899 {offsets = [0, 5632], sizes = [64, 256], strides = [1, 1]} : vector<64x8192xf32> to vector<64x256xf32>
    %max3A_944 = arith.maximumf %max3A_942, %slice3A_943 : vector<64x256xf32>
    %slice3A_945 = vector.extract_strided_slice %max3A_899 {offsets = [0, 5888], sizes = [64, 256], strides = [1, 1]} : vector<64x8192xf32> to vector<64x256xf32>
    %max3A_946 = arith.maximumf %max3A_944, %slice3A_945 : vector<64x256xf32>
    %slice3A_947 = vector.extract_strided_slice %max3A_899 {offsets = [0, 6144], sizes = [64, 256], strides = [1, 1]} : vector<64x8192xf32> to vector<64x256xf32>
    %max3A_948 = arith.maximumf %max3A_946, %slice3A_947 : vector<64x256xf32>
    %slice3A_949 = vector.extract_strided_slice %max3A_899 {offsets = [0, 6400], sizes = [64, 256], strides = [1, 1]} : vector<64x8192xf32> to vector<64x256xf32>
    %max3A_950 = arith.maximumf %max3A_948, %slice3A_949 : vector<64x256xf32>
    %slice3A_951 = vector.extract_strided_slice %max3A_899 {offsets = [0, 6656], sizes = [64, 256], strides = [1, 1]} : vector<64x8192xf32> to vector<64x256xf32>
    %max3A_952 = arith.maximumf %max3A_950, %slice3A_951 : vector<64x256xf32>
    %slice3A_953 = vector.extract_strided_slice %max3A_899 {offsets = [0, 6912], sizes = [64, 256], strides = [1, 1]} : vector<64x8192xf32> to vector<64x256xf32>
    %max3A_954 = arith.maximumf %max3A_952, %slice3A_953 : vector<64x256xf32>
    %slice3A_955 = vector.extract_strided_slice %max3A_899 {offsets = [0, 7168], sizes = [64, 256], strides = [1, 1]} : vector<64x8192xf32> to vector<64x256xf32>
    %max3A_956 = arith.maximumf %max3A_954, %slice3A_955 : vector<64x256xf32>
    %slice3A_957 = vector.extract_strided_slice %max3A_899 {offsets = [0, 7424], sizes = [64, 256], strides = [1, 1]} : vector<64x8192xf32> to vector<64x256xf32>
    %max3A_958 = arith.maximumf %max3A_956, %slice3A_957 : vector<64x256xf32>
    %slice3A_959 = vector.extract_strided_slice %max3A_899 {offsets = [0, 7680], sizes = [64, 256], strides = [1, 1]} : vector<64x8192xf32> to vector<64x256xf32>
    %max3A_960 = arith.maximumf %max3A_958, %slice3A_959 : vector<64x256xf32>
    %slice3A_961 = vector.extract_strided_slice %max3A_899 {offsets = [0, 7936], sizes = [64, 256], strides = [1, 1]} : vector<64x8192xf32> to vector<64x256xf32>
    %max3A_962 = arith.maximumf %max3A_960, %slice3A_961 : vector<64x256xf32>
    %swap3A_963 = arith.constant 2 : index
    %swap3A_964 = arith.constant 0 : index
    %swap3A_965 = arith.constant 0 : index
    %swap3A_966 = vector.load %arg12[%swap3A_963, %swap3A_964, %swap3A_965] : memref<8x64x256xf32, #tpu.memory_space<vmem>>, vector<1x64x256xf32>
    %swap3A_967 = vector.shape_cast %swap3A_966 : vector<1x64x256xf32> to vector<64x256xf32>
    %swap3A_968 = vector.shape_cast %max3A_962 : vector<64x256xf32> to vector<1x64x256xf32>
    tpu.vector_store %arg12[%swap3A_963, %swap3A_964, %swap3A_965], %swap3A_968 {strides = array<i32>} : memref<8x64x256xf32, #tpu.memory_space<vmem>>, vector<1x64x256xf32>,
    %get3A_969 = arith.constant 192 : index
    %get3A_970 = arith.constant 0 : index
    %get3A_971 = vector.load %arg14[%get3A_969, %get3A_970] : memref<512x8192xf32, #tpu.memory_space<vmem>>, vector<64x8192xf32>
    %sub3A_972 = vector.broadcast %div3A_624 : vector<64x1xf32> to vector<64x8192xf32>
    %sub3A_973 = arith.subf %get3A_971, %sub3A_972 : vector<64x8192xf32>
    %mul3A_974 = vector.broadcast %div3A_717 : vector<64x1xf32> to vector<64x8192xf32>
    %mul3A_975 = arith.mulf %sub3A_973, %mul3A_974 : vector<64x8192xf32>
    %get3A_976 = arith.constant 0 : index
    %get3A_977 = arith.constant 0 : index
    %get3A_978 = vector.load %arg11[%get3A_976, %get3A_977] : memref<64x1xf32, #tpu.memory_space<vmem>>, vector<64x1xf32>
    %add3A_979 = vector.broadcast %get3A_978 : vector<64x1xf32> to vector<64x8192xf32>
    %add3A_980 = arith.addf %mul3A_975, %add3A_979 : vector<64x8192xf32>
    %max3A_981 = arith.constant 0.000000e+00 : f32
    %max3A_982 = vector.broadcast %max3A_981 : f32 to vector<64x8192xf32>
    %max3A_983 = arith.maximumf %add3A_980, %max3A_982 : vector<64x8192xf32>
    %slice3A_984 = vector.extract_strided_slice %max3A_983 {offsets = [0, 0], sizes = [64, 256], strides = [1, 1]} : vector<64x8192xf32> to vector<64x256xf32>
    %slice3A_985 = vector.extract_strided_slice %max3A_983 {offsets = [0, 256], sizes = [64, 256], strides = [1, 1]} : vector<64x8192xf32> to vector<64x256xf32>
    %max3A_986 = arith.maximumf %slice3A_984, %slice3A_985 : vector<64x256xf32>
    %slice3A_987 = vector.extract_strided_slice %max3A_983 {offsets = [0, 512], sizes = [64, 256], strides = [1, 1]} : vector<64x8192xf32> to vector<64x256xf32>
    %max3A_988 = arith.maximumf %max3A_986, %slice3A_987 : vector<64x256xf32>
    %slice3A_989 = vector.extract_strided_slice %max3A_983 {offsets = [0, 768], sizes = [64, 256], strides = [1, 1]} : vector<64x8192xf32> to vector<64x256xf32>
    %max3A_990 = arith.maximumf %max3A_988, %slice3A_989 : vector<64x256xf32>
    %slice3A_991 = vector.extract_strided_slice %max3A_983 {offsets = [0, 1024], sizes = [64, 256], strides = [1, 1]} : vector<64x8192xf32> to vector<64x256xf32>
    %max3A_992 = arith.maximumf %max3A_990, %slice3A_991 : vector<64x256xf32>
    %slice3A_993 = vector.extract_strided_slice %max3A_983 {offsets = [0, 1280], sizes = [64, 256], strides = [1, 1]} : vector<64x8192xf32> to vector<64x256xf32>
    %max3A_994 = arith.maximumf %max3A_992, %slice3A_993 : vector<64x256xf32>
    %slice3A_995 = vector.extract_strided_slice %max3A_983 {offsets = [0, 1536], sizes = [64, 256], strides = [1, 1]} : vector<64x8192xf32> to vector<64x256xf32>
    %max3A_996 = arith.maximumf %max3A_994, %slice3A_995 : vector<64x256xf32>
    %slice3A_997 = vector.extract_strided_slice %max3A_983 {offsets = [0, 1792], sizes = [64, 256], strides = [1, 1]} : vector<64x8192xf32> to vector<64x256xf32>
    %max3A_998 = arith.maximumf %max3A_996, %slice3A_997 : vector<64x256xf32>
    %slice3A_999 = vector.extract_strided_slice %max3A_983 {offsets = [0, 2048], sizes = [64, 256], strides = [1, 1]} : vector<64x8192xf32> to vector<64x256xf32>
    %max3A_1000 = arith.maximumf %max3A_998, %slice3A_999 : vector<64x256xf32>
    %slice3A_1001 = vector.extract_strided_slice %max3A_983 {offsets = [0, 2304], sizes = [64, 256], strides = [1, 1]} : vector<64x8192xf32> to vector<64x256xf32>
    %max3A_1002 = arith.maximumf %max3A_1000, %slice3A_1001 : vector<64x256xf32>
    %slice3A_1003 = vector.extract_strided_slice %max3A_983 {offsets = [0, 2560], sizes = [64, 256], strides = [1, 1]} : vector<64x8192xf32> to vector<64x256xf32>
    %max3A_1004 = arith.maximumf %max3A_1002, %slice3A_1003 : vector<64x256xf32>
    %slice3A_1005 = vector.extract_strided_slice %max3A_983 {offsets = [0, 2816], sizes = [64, 256], strides = [1, 1]} : vector<64x8192xf32> to vector<64x256xf32>
    %max3A_1006 = arith.maximumf %max3A_1004, %slice3A_1005 : vector<64x256xf32>
    %slice3A_1007 = vector.extract_strided_slice %max3A_983 {offsets = [0, 3072], sizes = [64, 256], strides = [1, 1]} : vector<64x8192xf32> to vector<64x256xf32>
    %max3A_1008 = arith.maximumf %max3A_1006, %slice3A_1007 : vector<64x256xf32>
    %slice3A_1009 = vector.extract_strided_slice %max3A_983 {offsets = [0, 3328], sizes = [64, 256], strides = [1, 1]} : vector<64x8192xf32> to vector<64x256xf32>
    %max3A_1010 = arith.maximumf %max3A_1008, %slice3A_1009 : vector<64x256xf32>
    %slice3A_1011 = vector.extract_strided_slice %max3A_983 {offsets = [0, 3584], sizes = [64, 256], strides = [1, 1]} : vector<64x8192xf32> to vector<64x256xf32>
    %max3A_1012 = arith.maximumf %max3A_1010, %slice3A_1011 : vector<64x256xf32>
    %slice3A_1013 = vector.extract_strided_slice %max3A_983 {offsets = [0, 3840], sizes = [64, 256], strides = [1, 1]} : vector<64x8192xf32> to vector<64x256xf32>
    %max3A_1014 = arith.maximumf %max3A_1012, %slice3A_1013 : vector<64x256xf32>
    %slice3A_1015 = vector.extract_strided_slice %max3A_983 {offsets = [0, 4096], sizes = [64, 256], strides = [1, 1]} : vector<64x8192xf32> to vector<64x256xf32>
    %max3A_1016 = arith.maximumf %max3A_1014, %slice3A_1015 : vector<64x256xf32>
    %slice3A_1017 = vector.extract_strided_slice %max3A_983 {offsets = [0, 4352], sizes = [64, 256], strides = [1, 1]} : vector<64x8192xf32> to vector<64x256xf32>
    %max3A_1018 = arith.maximumf %max3A_1016, %slice3A_1017 : vector<64x256xf32>
    %slice3A_1019 = vector.extract_strided_slice %max3A_983 {offsets = [0, 4608], sizes = [64, 256], strides = [1, 1]} : vector<64x8192xf32> to vector<64x256xf32>
    %max3A_1020 = arith.maximumf %max3A_1018, %slice3A_1019 : vector<64x256xf32>
    %slice3A_1021 = vector.extract_strided_slice %max3A_983 {offsets = [0, 4864], sizes = [64, 256], strides = [1, 1]} : vector<64x8192xf32> to vector<64x256xf32>
    %max3A_1022 = arith.maximumf %max3A_1020, %slice3A_1021 : vector<64x256xf32>
    %slice3A_1023 = vector.extract_strided_slice %max3A_983 {offsets = [0, 5120], sizes = [64, 256], strides = [1, 1]} : vector<64x8192xf32> to vector<64x256xf32>
    %max3A_1024 = arith.maximumf %max3A_1022, %slice3A_1023 : vector<64x256xf32>
    %slice3A_1025 = vector.extract_strided_slice %max3A_983 {offsets = [0, 5376], sizes = [64, 256], strides = [1, 1]} : vector<64x8192xf32> to vector<64x256xf32>
    %max3A_1026 = arith.maximumf %max3A_1024, %slice3A_1025 : vector<64x256xf32>
    %slice3A_1027 = vector.extract_strided_slice %max3A_983 {offsets = [0, 5632], sizes = [64, 256], strides = [1, 1]} : vector<64x8192xf32> to vector<64x256xf32>
    %max3A_1028 = arith.maximumf %max3A_1026, %slice3A_1027 : vector<64x256xf32>
    %slice3A_1029 = vector.extract_strided_slice %max3A_983 {offsets = [0, 5888], sizes = [64, 256], strides = [1, 1]} : vector<64x8192xf32> to vector<64x256xf32>
    %max3A_1030 = arith.maximumf %max3A_1028, %slice3A_1029 : vector<64x256xf32>
    %slice3A_1031 = vector.extract_strided_slice %max3A_983 {offsets = [0, 6144], sizes = [64, 256], strides = [1, 1]} : vector<64x8192xf32> to vector<64x256xf32>
    %max3A_1032 = arith.maximumf %max3A_1030, %slice3A_1031 : vector<64x256xf32>
    %slice3A_1033 = vector.extract_strided_slice %max3A_983 {offsets = [0, 6400], sizes = [64, 256], strides = [1, 1]} : vector<64x8192xf32> to vector<64x256xf32>
    %max3A_1034 = arith.maximumf %max3A_1032, %slice3A_1033 : vector<64x256xf32>
    %slice3A_1035 = vector.extract_strided_slice %max3A_983 {offsets = [0, 6656], sizes = [64, 256], strides = [1, 1]} : vector<64x8192xf32> to vector<64x256xf32>
    %max3A_1036 = arith.maximumf %max3A_1034, %slice3A_1035 : vector<64x256xf32>
    %slice3A_1037 = vector.extract_strided_slice %max3A_983 {offsets = [0, 6912], sizes = [64, 256], strides = [1, 1]} : vector<64x8192xf32> to vector<64x256xf32>
    %max3A_1038 = arith.maximumf %max3A_1036, %slice3A_1037 : vector<64x256xf32>
    %slice3A_1039 = vector.extract_strided_slice %max3A_983 {offsets = [0, 7168], sizes = [64, 256], strides = [1, 1]} : vector<64x8192xf32> to vector<64x256xf32>
    %max3A_1040 = arith.maximumf %max3A_1038, %slice3A_1039 : vector<64x256xf32>
    %slice3A_1041 = vector.extract_strided_slice %max3A_983 {offsets = [0, 7424], sizes = [64, 256], strides = [1, 1]} : vector<64x8192xf32> to vector<64x256xf32>
    %max3A_1042 = arith.maximumf %max3A_1040, %slice3A_1041 : vector<64x256xf32>
    %slice3A_1043 = vector.extract_strided_slice %max3A_983 {offsets = [0, 7680], sizes = [64, 256], strides = [1, 1]} : vector<64x8192xf32> to vector<64x256xf32>
    %max3A_1044 = arith.maximumf %max3A_1042, %slice3A_1043 : vector<64x256xf32>
    %slice3A_1045 = vector.extract_strided_slice %max3A_983 {offsets = [0, 7936], sizes = [64, 256], strides = [1, 1]} : vector<64x8192xf32> to vector<64x256xf32>
    %max3A_1046 = arith.maximumf %max3A_1044, %slice3A_1045 : vector<64x256xf32>
    %swap3A_1047 = arith.constant 3 : index
    %swap3A_1048 = arith.constant 0 : index
    %swap3A_1049 = arith.constant 0 : index
    %swap3A_1050 = vector.load %arg12[%swap3A_1047, %swap3A_1048, %swap3A_1049] : memref<8x64x256xf32, #tpu.memory_space<vmem>>, vector<1x64x256xf32>
    %swap3A_1051 = vector.shape_cast %swap3A_1050 : vector<1x64x256xf32> to vector<64x256xf32>
    %swap3A_1052 = vector.shape_cast %max3A_1046 : vector<64x256xf32> to vector<1x64x256xf32>
    tpu.vector_store %arg12[%swap3A_1047, %swap3A_1048, %swap3A_1049], %swap3A_1052 {strides = array<i32>} : memref<8x64x256xf32, #tpu.memory_space<vmem>>, vector<1x64x256xf32>,
    %get3A_1053 = arith.constant 256 : index
    %get3A_1054 = arith.constant 0 : index
    %get3A_1055 = vector.load %arg14[%get3A_1053, %get3A_1054] : memref<512x8192xf32, #tpu.memory_space<vmem>>, vector<64x8192xf32>
    %sub3A_1056 = vector.broadcast %div3A_624 : vector<64x1xf32> to vector<64x8192xf32>
    %sub3A_1057 = arith.subf %get3A_1055, %sub3A_1056 : vector<64x8192xf32>
    %mul3A_1058 = vector.broadcast %div3A_717 : vector<64x1xf32> to vector<64x8192xf32>
    %mul3A_1059 = arith.mulf %sub3A_1057, %mul3A_1058 : vector<64x8192xf32>
    %get3A_1060 = arith.constant 0 : index
    %get3A_1061 = arith.constant 0 : index
    %get3A_1062 = vector.load %arg11[%get3A_1060, %get3A_1061] : memref<64x1xf32, #tpu.memory_space<vmem>>, vector<64x1xf32>
    %add3A_1063 = vector.broadcast %get3A_1062 : vector<64x1xf32> to vector<64x8192xf32>
    %add3A_1064 = arith.addf %mul3A_1059, %add3A_1063 : vector<64x8192xf32>
    %max3A_1065 = arith.constant 0.000000e+00 : f32
    %max3A_1066 = vector.broadcast %max3A_1065 : f32 to vector<64x8192xf32>
    %max3A_1067 = arith.maximumf %add3A_1064, %max3A_1066 : vector<64x8192xf32>
    %slice3A_1068 = vector.extract_strided_slice %max3A_1067 {offsets = [0, 0], sizes = [64, 256], strides = [1, 1]} : vector<64x8192xf32> to vector<64x256xf32>
    %slice3A_1069 = vector.extract_strided_slice %max3A_1067 {offsets = [0, 256], sizes = [64, 256], strides = [1, 1]} : vector<64x8192xf32> to vector<64x256xf32>
    %max3A_1070 = arith.maximumf %slice3A_1068, %slice3A_1069 : vector<64x256xf32>
    %slice3A_1071 = vector.extract_strided_slice %max3A_1067 {offsets = [0, 512], sizes = [64, 256], strides = [1, 1]} : vector<64x8192xf32> to vector<64x256xf32>
    %max3A_1072 = arith.maximumf %max3A_1070, %slice3A_1071 : vector<64x256xf32>
    %slice3A_1073 = vector.extract_strided_slice %max3A_1067 {offsets = [0, 768], sizes = [64, 256], strides = [1, 1]} : vector<64x8192xf32> to vector<64x256xf32>
    %max3A_1074 = arith.maximumf %max3A_1072, %slice3A_1073 : vector<64x256xf32>
    %slice3A_1075 = vector.extract_strided_slice %max3A_1067 {offsets = [0, 1024], sizes = [64, 256], strides = [1, 1]} : vector<64x8192xf32> to vector<64x256xf32>
    %max3A_1076 = arith.maximumf %max3A_1074, %slice3A_1075 : vector<64x256xf32>
    %slice3A_1077 = vector.extract_strided_slice %max3A_1067 {offsets = [0, 1280], sizes = [64, 256], strides = [1, 1]} : vector<64x8192xf32> to vector<64x256xf32>
    %max3A_1078 = arith.maximumf %max3A_1076, %slice3A_1077 : vector<64x256xf32>
    %slice3A_1079 = vector.extract_strided_slice %max3A_1067 {offsets = [0, 1536], sizes = [64, 256], strides = [1, 1]} : vector<64x8192xf32> to vector<64x256xf32>
    %max3A_1080 = arith.maximumf %max3A_1078, %slice3A_1079 : vector<64x256xf32>
    %slice3A_1081 = vector.extract_strided_slice %max3A_1067 {offsets = [0, 1792], sizes = [64, 256], strides = [1, 1]} : vector<64x8192xf32> to vector<64x256xf32>
    %max3A_1082 = arith.maximumf %max3A_1080, %slice3A_1081 : vector<64x256xf32>
    %slice3A_1083 = vector.extract_strided_slice %max3A_1067 {offsets = [0, 2048], sizes = [64, 256], strides = [1, 1]} : vector<64x8192xf32> to vector<64x256xf32>
    %max3A_1084 = arith.maximumf %max3A_1082, %slice3A_1083 : vector<64x256xf32>
    %slice3A_1085 = vector.extract_strided_slice %max3A_1067 {offsets = [0, 2304], sizes = [64, 256], strides = [1, 1]} : vector<64x8192xf32> to vector<64x256xf32>
    %max3A_1086 = arith.maximumf %max3A_1084, %slice3A_1085 : vector<64x256xf32>
    %slice3A_1087 = vector.extract_strided_slice %max3A_1067 {offsets = [0, 2560], sizes = [64, 256], strides = [1, 1]} : vector<64x8192xf32> to vector<64x256xf32>
    %max3A_1088 = arith.maximumf %max3A_1086, %slice3A_1087 : vector<64x256xf32>
    %slice3A_1089 = vector.extract_strided_slice %max3A_1067 {offsets = [0, 2816], sizes = [64, 256], strides = [1, 1]} : vector<64x8192xf32> to vector<64x256xf32>
    %max3A_1090 = arith.maximumf %max3A_1088, %slice3A_1089 : vector<64x256xf32>
    %slice3A_1091 = vector.extract_strided_slice %max3A_1067 {offsets = [0, 3072], sizes = [64, 256], strides = [1, 1]} : vector<64x8192xf32> to vector<64x256xf32>
    %max3A_1092 = arith.maximumf %max3A_1090, %slice3A_1091 : vector<64x256xf32>
    %slice3A_1093 = vector.extract_strided_slice %max3A_1067 {offsets = [0, 3328], sizes = [64, 256], strides = [1, 1]} : vector<64x8192xf32> to vector<64x256xf32>
    %max3A_1094 = arith.maximumf %max3A_1092, %slice3A_1093 : vector<64x256xf32>
    %slice3A_1095 = vector.extract_strided_slice %max3A_1067 {offsets = [0, 3584], sizes = [64, 256], strides = [1, 1]} : vector<64x8192xf32> to vector<64x256xf32>
    %max3A_1096 = arith.maximumf %max3A_1094, %slice3A_1095 : vector<64x256xf32>
    %slice3A_1097 = vector.extract_strided_slice %max3A_1067 {offsets = [0, 3840], sizes = [64, 256], strides = [1, 1]} : vector<64x8192xf32> to vector<64x256xf32>
    %max3A_1098 = arith.maximumf %max3A_1096, %slice3A_1097 : vector<64x256xf32>
    %slice3A_1099 = vector.extract_strided_slice %max3A_1067 {offsets = [0, 4096], sizes = [64, 256], strides = [1, 1]} : vector<64x8192xf32> to vector<64x256xf32>
    %max3A_1100 = arith.maximumf %max3A_1098, %slice3A_1099 : vector<64x256xf32>
    %slice3A_1101 = vector.extract_strided_slice %max3A_1067 {offsets = [0, 4352], sizes = [64, 256], strides = [1, 1]} : vector<64x8192xf32> to vector<64x256xf32>
    %max3A_1102 = arith.maximumf %max3A_1100, %slice3A_1101 : vector<64x256xf32>
    %slice3A_1103 = vector.extract_strided_slice %max3A_1067 {offsets = [0, 4608], sizes = [64, 256], strides = [1, 1]} : vector<64x8192xf32> to vector<64x256xf32>
    %max3A_1104 = arith.maximumf %max3A_1102, %slice3A_1103 : vector<64x256xf32>
    %slice3A_1105 = vector.extract_strided_slice %max3A_1067 {offsets = [0, 4864], sizes = [64, 256], strides = [1, 1]} : vector<64x8192xf32> to vector<64x256xf32>
    %max3A_1106 = arith.maximumf %max3A_1104, %slice3A_1105 : vector<64x256xf32>
    %slice3A_1107 = vector.extract_strided_slice %max3A_1067 {offsets = [0, 5120], sizes = [64, 256], strides = [1, 1]} : vector<64x8192xf32> to vector<64x256xf32>
    %max3A_1108 = arith.maximumf %max3A_1106, %slice3A_1107 : vector<64x256xf32>
    %slice3A_1109 = vector.extract_strided_slice %max3A_1067 {offsets = [0, 5376], sizes = [64, 256], strides = [1, 1]} : vector<64x8192xf32> to vector<64x256xf32>
    %max3A_1110 = arith.maximumf %max3A_1108, %slice3A_1109 : vector<64x256xf32>
    %slice3A_1111 = vector.extract_strided_slice %max3A_1067 {offsets = [0, 5632], sizes = [64, 256], strides = [1, 1]} : vector<64x8192xf32> to vector<64x256xf32>
    %max3A_1112 = arith.maximumf %max3A_1110, %slice3A_1111 : vector<64x256xf32>
    %slice3A_1113 = vector.extract_strided_slice %max3A_1067 {offsets = [0, 5888], sizes = [64, 256], strides = [1, 1]} : vector<64x8192xf32> to vector<64x256xf32>
    %max3A_1114 = arith.maximumf %max3A_1112, %slice3A_1113 : vector<64x256xf32>
    %slice3A_1115 = vector.extract_strided_slice %max3A_1067 {offsets = [0, 6144], sizes = [64, 256], strides = [1, 1]} : vector<64x8192xf32> to vector<64x256xf32>
    %max3A_1116 = arith.maximumf %max3A_1114, %slice3A_1115 : vector<64x256xf32>
    %slice3A_1117 = vector.extract_strided_slice %max3A_1067 {offsets = [0, 6400], sizes = [64, 256], strides = [1, 1]} : vector<64x8192xf32> to vector<64x256xf32>
    %max3A_1118 = arith.maximumf %max3A_1116, %slice3A_1117 : vector<64x256xf32>
    %slice3A_1119 = vector.extract_strided_slice %max3A_1067 {offsets = [0, 6656], sizes = [64, 256], strides = [1, 1]} : vector<64x8192xf32> to vector<64x256xf32>
    %max3A_1120 = arith.maximumf %max3A_1118, %slice3A_1119 : vector<64x256xf32>
    %slice3A_1121 = vector.extract_strided_slice %max3A_1067 {offsets = [0, 6912], sizes = [64, 256], strides = [1, 1]} : vector<64x8192xf32> to vector<64x256xf32>
    %max3A_1122 = arith.maximumf %max3A_1120, %slice3A_1121 : vector<64x256xf32>
    %slice3A_1123 = vector.extract_strided_slice %max3A_1067 {offsets = [0, 7168], sizes = [64, 256], strides = [1, 1]} : vector<64x8192xf32> to vector<64x256xf32>
    %max3A_1124 = arith.maximumf %max3A_1122, %slice3A_1123 : vector<64x256xf32>
    %slice3A_1125 = vector.extract_strided_slice %max3A_1067 {offsets = [0, 7424], sizes = [64, 256], strides = [1, 1]} : vector<64x8192xf32> to vector<64x256xf32>
    %max3A_1126 = arith.maximumf %max3A_1124, %slice3A_1125 : vector<64x256xf32>
    %slice3A_1127 = vector.extract_strided_slice %max3A_1067 {offsets = [0, 7680], sizes = [64, 256], strides = [1, 1]} : vector<64x8192xf32> to vector<64x256xf32>
    %max3A_1128 = arith.maximumf %max3A_1126, %slice3A_1127 : vector<64x256xf32>
    %slice3A_1129 = vector.extract_strided_slice %max3A_1067 {offsets = [0, 7936], sizes = [64, 256], strides = [1, 1]} : vector<64x8192xf32> to vector<64x256xf32>
    %max3A_1130 = arith.maximumf %max3A_1128, %slice3A_1129 : vector<64x256xf32>
    %swap3A_1131 = arith.constant 4 : index
    %swap3A_1132 = arith.constant 0 : index
    %swap3A_1133 = arith.constant 0 : index
    %swap3A_1134 = vector.load %arg12[%swap3A_1131, %swap3A_1132, %swap3A_1133] : memref<8x64x256xf32, #tpu.memory_space<vmem>>, vector<1x64x256xf32>
    %swap3A_1135 = vector.shape_cast %swap3A_1134 : vector<1x64x256xf32> to vector<64x256xf32>
    %swap3A_1136 = vector.shape_cast %max3A_1130 : vector<64x256xf32> to vector<1x64x256xf32>
    tpu.vector_store %arg12[%swap3A_1131, %swap3A_1132, %swap3A_1133], %swap3A_1136 {strides = array<i32>} : memref<8x64x256xf32, #tpu.memory_space<vmem>>, vector<1x64x256xf32>,
    %get3A_1137 = arith.constant 320 : index
    %get3A_1138 = arith.constant 0 : index
    %get3A_1139 = vector.load %arg14[%get3A_1137, %get3A_1138] : memref<512x8192xf32, #tpu.memory_space<vmem>>, vector<64x8192xf32>
    %sub3A_1140 = vector.broadcast %div3A_624 : vector<64x1xf32> to vector<64x8192xf32>
    %sub3A_1141 = arith.subf %get3A_1139, %sub3A_1140 : vector<64x8192xf32>
    %mul3A_1142 = vector.broadcast %div3A_717 : vector<64x1xf32> to vector<64x8192xf32>
    %mul3A_1143 = arith.mulf %sub3A_1141, %mul3A_1142 : vector<64x8192xf32>
    %get3A_1144 = arith.constant 0 : index
    %get3A_1145 = arith.constant 0 : index
    %get3A_1146 = vector.load %arg11[%get3A_1144, %get3A_1145] : memref<64x1xf32, #tpu.memory_space<vmem>>, vector<64x1xf32>
    %add3A_1147 = vector.broadcast %get3A_1146 : vector<64x1xf32> to vector<64x8192xf32>
    %add3A_1148 = arith.addf %mul3A_1143, %add3A_1147 : vector<64x8192xf32>
    %max3A_1149 = arith.constant 0.000000e+00 : f32
    %max3A_1150 = vector.broadcast %max3A_1149 : f32 to vector<64x8192xf32>
    %max3A_1151 = arith.maximumf %add3A_1148, %max3A_1150 : vector<64x8192xf32>
    %slice3A_1152 = vector.extract_strided_slice %max3A_1151 {offsets = [0, 0], sizes = [64, 256], strides = [1, 1]} : vector<64x8192xf32> to vector<64x256xf32>
    %slice3A_1153 = vector.extract_strided_slice %max3A_1151 {offsets = [0, 256], sizes = [64, 256], strides = [1, 1]} : vector<64x8192xf32> to vector<64x256xf32>
    %max3A_1154 = arith.maximumf %slice3A_1152, %slice3A_1153 : vector<64x256xf32>
    %slice3A_1155 = vector.extract_strided_slice %max3A_1151 {offsets = [0, 512], sizes = [64, 256], strides = [1, 1]} : vector<64x8192xf32> to vector<64x256xf32>
    %max3A_1156 = arith.maximumf %max3A_1154, %slice3A_1155 : vector<64x256xf32>
    %slice3A_1157 = vector.extract_strided_slice %max3A_1151 {offsets = [0, 768], sizes = [64, 256], strides = [1, 1]} : vector<64x8192xf32> to vector<64x256xf32>
    %max3A_1158 = arith.maximumf %max3A_1156, %slice3A_1157 : vector<64x256xf32>
    %slice3A_1159 = vector.extract_strided_slice %max3A_1151 {offsets = [0, 1024], sizes = [64, 256], strides = [1, 1]} : vector<64x8192xf32> to vector<64x256xf32>
    %max3A_1160 = arith.maximumf %max3A_1158, %slice3A_1159 : vector<64x256xf32>
    %slice3A_1161 = vector.extract_strided_slice %max3A_1151 {offsets = [0, 1280], sizes = [64, 256], strides = [1, 1]} : vector<64x8192xf32> to vector<64x256xf32>
    %max3A_1162 = arith.maximumf %max3A_1160, %slice3A_1161 : vector<64x256xf32>
    %slice3A_1163 = vector.extract_strided_slice %max3A_1151 {offsets = [0, 1536], sizes = [64, 256], strides = [1, 1]} : vector<64x8192xf32> to vector<64x256xf32>
    %max3A_1164 = arith.maximumf %max3A_1162, %slice3A_1163 : vector<64x256xf32>
    %slice3A_1165 = vector.extract_strided_slice %max3A_1151 {offsets = [0, 1792], sizes = [64, 256], strides = [1, 1]} : vector<64x8192xf32> to vector<64x256xf32>
    %max3A_1166 = arith.maximumf %max3A_1164, %slice3A_1165 : vector<64x256xf32>
    %slice3A_1167 = vector.extract_strided_slice %max3A_1151 {offsets = [0, 2048], sizes = [64, 256], strides = [1, 1]} : vector<64x8192xf32> to vector<64x256xf32>
    %max3A_1168 = arith.maximumf %max3A_1166, %slice3A_1167 : vector<64x256xf32>
    %slice3A_1169 = vector.extract_strided_slice %max3A_1151 {offsets = [0, 2304], sizes = [64, 256], strides = [1, 1]} : vector<64x8192xf32> to vector<64x256xf32>
    %max3A_1170 = arith.maximumf %max3A_1168, %slice3A_1169 : vector<64x256xf32>
    %slice3A_1171 = vector.extract_strided_slice %max3A_1151 {offsets = [0, 2560], sizes = [64, 256], strides = [1, 1]} : vector<64x8192xf32> to vector<64x256xf32>
    %max3A_1172 = arith.maximumf %max3A_1170, %slice3A_1171 : vector<64x256xf32>
    %slice3A_1173 = vector.extract_strided_slice %max3A_1151 {offsets = [0, 2816], sizes = [64, 256], strides = [1, 1]} : vector<64x8192xf32> to vector<64x256xf32>
    %max3A_1174 = arith.maximumf %max3A_1172, %slice3A_1173 : vector<64x256xf32>
    %slice3A_1175 = vector.extract_strided_slice %max3A_1151 {offsets = [0, 3072], sizes = [64, 256], strides = [1, 1]} : vector<64x8192xf32> to vector<64x256xf32>
    %max3A_1176 = arith.maximumf %max3A_1174, %slice3A_1175 : vector<64x256xf32>
    %slice3A_1177 = vector.extract_strided_slice %max3A_1151 {offsets = [0, 3328], sizes = [64, 256], strides = [1, 1]} : vector<64x8192xf32> to vector<64x256xf32>
    %max3A_1178 = arith.maximumf %max3A_1176, %slice3A_1177 : vector<64x256xf32>
    %slice3A_1179 = vector.extract_strided_slice %max3A_1151 {offsets = [0, 3584], sizes = [64, 256], strides = [1, 1]} : vector<64x8192xf32> to vector<64x256xf32>
    %max3A_1180 = arith.maximumf %max3A_1178, %slice3A_1179 : vector<64x256xf32>
    %slice3A_1181 = vector.extract_strided_slice %max3A_1151 {offsets = [0, 3840], sizes = [64, 256], strides = [1, 1]} : vector<64x8192xf32> to vector<64x256xf32>
    %max3A_1182 = arith.maximumf %max3A_1180, %slice3A_1181 : vector<64x256xf32>
    %slice3A_1183 = vector.extract_strided_slice %max3A_1151 {offsets = [0, 4096], sizes = [64, 256], strides = [1, 1]} : vector<64x8192xf32> to vector<64x256xf32>
    %max3A_1184 = arith.maximumf %max3A_1182, %slice3A_1183 : vector<64x256xf32>
    %slice3A_1185 = vector.extract_strided_slice %max3A_1151 {offsets = [0, 4352], sizes = [64, 256], strides = [1, 1]} : vector<64x8192xf32> to vector<64x256xf32>
    %max3A_1186 = arith.maximumf %max3A_1184, %slice3A_1185 : vector<64x256xf32>
    %slice3A_1187 = vector.extract_strided_slice %max3A_1151 {offsets = [0, 4608], sizes = [64, 256], strides = [1, 1]} : vector<64x8192xf32> to vector<64x256xf32>
    %max3A_1188 = arith.maximumf %max3A_1186, %slice3A_1187 : vector<64x256xf32>
    %slice3A_1189 = vector.extract_strided_slice %max3A_1151 {offsets = [0, 4864], sizes = [64, 256], strides = [1, 1]} : vector<64x8192xf32> to vector<64x256xf32>
    %max3A_1190 = arith.maximumf %max3A_1188, %slice3A_1189 : vector<64x256xf32>
    %slice3A_1191 = vector.extract_strided_slice %max3A_1151 {offsets = [0, 5120], sizes = [64, 256], strides = [1, 1]} : vector<64x8192xf32> to vector<64x256xf32>
    %max3A_1192 = arith.maximumf %max3A_1190, %slice3A_1191 : vector<64x256xf32>
    %slice3A_1193 = vector.extract_strided_slice %max3A_1151 {offsets = [0, 5376], sizes = [64, 256], strides = [1, 1]} : vector<64x8192xf32> to vector<64x256xf32>
    %max3A_1194 = arith.maximumf %max3A_1192, %slice3A_1193 : vector<64x256xf32>
    %slice3A_1195 = vector.extract_strided_slice %max3A_1151 {offsets = [0, 5632], sizes = [64, 256], strides = [1, 1]} : vector<64x8192xf32> to vector<64x256xf32>
    %max3A_1196 = arith.maximumf %max3A_1194, %slice3A_1195 : vector<64x256xf32>
    %slice3A_1197 = vector.extract_strided_slice %max3A_1151 {offsets = [0, 5888], sizes = [64, 256], strides = [1, 1]} : vector<64x8192xf32> to vector<64x256xf32>
    %max3A_1198 = arith.maximumf %max3A_1196, %slice3A_1197 : vector<64x256xf32>
    %slice3A_1199 = vector.extract_strided_slice %max3A_1151 {offsets = [0, 6144], sizes = [64, 256], strides = [1, 1]} : vector<64x8192xf32> to vector<64x256xf32>
    %max3A_1200 = arith.maximumf %max3A_1198, %slice3A_1199 : vector<64x256xf32>
    %slice3A_1201 = vector.extract_strided_slice %max3A_1151 {offsets = [0, 6400], sizes = [64, 256], strides = [1, 1]} : vector<64x8192xf32> to vector<64x256xf32>
    %max3A_1202 = arith.maximumf %max3A_1200, %slice3A_1201 : vector<64x256xf32>
    %slice3A_1203 = vector.extract_strided_slice %max3A_1151 {offsets = [0, 6656], sizes = [64, 256], strides = [1, 1]} : vector<64x8192xf32> to vector<64x256xf32>
    %max3A_1204 = arith.maximumf %max3A_1202, %slice3A_1203 : vector<64x256xf32>
    %slice3A_1205 = vector.extract_strided_slice %max3A_1151 {offsets = [0, 6912], sizes = [64, 256], strides = [1, 1]} : vector<64x8192xf32> to vector<64x256xf32>
    %max3A_1206 = arith.maximumf %max3A_1204, %slice3A_1205 : vector<64x256xf32>
    %slice3A_1207 = vector.extract_strided_slice %max3A_1151 {offsets = [0, 7168], sizes = [64, 256], strides = [1, 1]} : vector<64x8192xf32> to vector<64x256xf32>
    %max3A_1208 = arith.maximumf %max3A_1206, %slice3A_1207 : vector<64x256xf32>
    %slice3A_1209 = vector.extract_strided_slice %max3A_1151 {offsets = [0, 7424], sizes = [64, 256], strides = [1, 1]} : vector<64x8192xf32> to vector<64x256xf32>
    %max3A_1210 = arith.maximumf %max3A_1208, %slice3A_1209 : vector<64x256xf32>
    %slice3A_1211 = vector.extract_strided_slice %max3A_1151 {offsets = [0, 7680], sizes = [64, 256], strides = [1, 1]} : vector<64x8192xf32> to vector<64x256xf32>
    %max3A_1212 = arith.maximumf %max3A_1210, %slice3A_1211 : vector<64x256xf32>
    %slice3A_1213 = vector.extract_strided_slice %max3A_1151 {offsets = [0, 7936], sizes = [64, 256], strides = [1, 1]} : vector<64x8192xf32> to vector<64x256xf32>
    %max3A_1214 = arith.maximumf %max3A_1212, %slice3A_1213 : vector<64x256xf32>
    %swap3A_1215 = arith.constant 5 : index
    %swap3A_1216 = arith.constant 0 : index
    %swap3A_1217 = arith.constant 0 : index
    %swap3A_1218 = vector.load %arg12[%swap3A_1215, %swap3A_1216, %swap3A_1217] : memref<8x64x256xf32, #tpu.memory_space<vmem>>, vector<1x64x256xf32>
    %swap3A_1219 = vector.shape_cast %swap3A_1218 : vector<1x64x256xf32> to vector<64x256xf32>
    %swap3A_1220 = vector.shape_cast %max3A_1214 : vector<64x256xf32> to vector<1x64x256xf32>
    tpu.vector_store %arg12[%swap3A_1215, %swap3A_1216, %swap3A_1217], %swap3A_1220 {strides = array<i32>} : memref<8x64x256xf32, #tpu.memory_space<vmem>>, vector<1x64x256xf32>,
    %get3A_1221 = arith.constant 384 : index
    %get3A_1222 = arith.constant 0 : index
    %get3A_1223 = vector.load %arg14[%get3A_1221, %get3A_1222] : memref<512x8192xf32, #tpu.memory_space<vmem>>, vector<64x8192xf32>
    %sub3A_1224 = vector.broadcast %div3A_624 : vector<64x1xf32> to vector<64x8192xf32>
    %sub3A_1225 = arith.subf %get3A_1223, %sub3A_1224 : vector<64x8192xf32>
    %mul3A_1226 = vector.broadcast %div3A_717 : vector<64x1xf32> to vector<64x8192xf32>
    %mul3A_1227 = arith.mulf %sub3A_1225, %mul3A_1226 : vector<64x8192xf32>
    %get3A_1228 = arith.constant 0 : index
    %get3A_1229 = arith.constant 0 : index
    %get3A_1230 = vector.load %arg11[%get3A_1228, %get3A_1229] : memref<64x1xf32, #tpu.memory_space<vmem>>, vector<64x1xf32>
    %add3A_1231 = vector.broadcast %get3A_1230 : vector<64x1xf32> to vector<64x8192xf32>
    %add3A_1232 = arith.addf %mul3A_1227, %add3A_1231 : vector<64x8192xf32>
    %max3A_1233 = arith.constant 0.000000e+00 : f32
    %max3A_1234 = vector.broadcast %max3A_1233 : f32 to vector<64x8192xf32>
    %max3A_1235 = arith.maximumf %add3A_1232, %max3A_1234 : vector<64x8192xf32>
    %slice3A_1236 = vector.extract_strided_slice %max3A_1235 {offsets = [0, 0], sizes = [64, 256], strides = [1, 1]} : vector<64x8192xf32> to vector<64x256xf32>
    %slice3A_1237 = vector.extract_strided_slice %max3A_1235 {offsets = [0, 256], sizes = [64, 256], strides = [1, 1]} : vector<64x8192xf32> to vector<64x256xf32>
    %max3A_1238 = arith.maximumf %slice3A_1236, %slice3A_1237 : vector<64x256xf32>
    %slice3A_1239 = vector.extract_strided_slice %max3A_1235 {offsets = [0, 512], sizes = [64, 256], strides = [1, 1]} : vector<64x8192xf32> to vector<64x256xf32>
    %max3A_1240 = arith.maximumf %max3A_1238, %slice3A_1239 : vector<64x256xf32>
    %slice3A_1241 = vector.extract_strided_slice %max3A_1235 {offsets = [0, 768], sizes = [64, 256], strides = [1, 1]} : vector<64x8192xf32> to vector<64x256xf32>
    %max3A_1242 = arith.maximumf %max3A_1240, %slice3A_1241 : vector<64x256xf32>
    %slice3A_1243 = vector.extract_strided_slice %max3A_1235 {offsets = [0, 1024], sizes = [64, 256], strides = [1, 1]} : vector<64x8192xf32> to vector<64x256xf32>
    %max3A_1244 = arith.maximumf %max3A_1242, %slice3A_1243 : vector<64x256xf32>
    %slice3A_1245 = vector.extract_strided_slice %max3A_1235 {offsets = [0, 1280], sizes = [64, 256], strides = [1, 1]} : vector<64x8192xf32> to vector<64x256xf32>
    %max3A_1246 = arith.maximumf %max3A_1244, %slice3A_1245 : vector<64x256xf32>
    %slice3A_1247 = vector.extract_strided_slice %max3A_1235 {offsets = [0, 1536], sizes = [64, 256], strides = [1, 1]} : vector<64x8192xf32> to vector<64x256xf32>
    %max3A_1248 = arith.maximumf %max3A_1246, %slice3A_1247 : vector<64x256xf32>
    %slice3A_1249 = vector.extract_strided_slice %max3A_1235 {offsets = [0, 1792], sizes = [64, 256], strides = [1, 1]} : vector<64x8192xf32> to vector<64x256xf32>
    %max3A_1250 = arith.maximumf %max3A_1248, %slice3A_1249 : vector<64x256xf32>
    %slice3A_1251 = vector.extract_strided_slice %max3A_1235 {offsets = [0, 2048], sizes = [64, 256], strides = [1, 1]} : vector<64x8192xf32> to vector<64x256xf32>
    %max3A_1252 = arith.maximumf %max3A_1250, %slice3A_1251 : vector<64x256xf32>
    %slice3A_1253 = vector.extract_strided_slice %max3A_1235 {offsets = [0, 2304], sizes = [64, 256], strides = [1, 1]} : vector<64x8192xf32> to vector<64x256xf32>
    %max3A_1254 = arith.maximumf %max3A_1252, %slice3A_1253 : vector<64x256xf32>
    %slice3A_1255 = vector.extract_strided_slice %max3A_1235 {offsets = [0, 2560], sizes = [64, 256], strides = [1, 1]} : vector<64x8192xf32> to vector<64x256xf32>
    %max3A_1256 = arith.maximumf %max3A_1254, %slice3A_1255 : vector<64x256xf32>
    %slice3A_1257 = vector.extract_strided_slice %max3A_1235 {offsets = [0, 2816], sizes = [64, 256], strides = [1, 1]} : vector<64x8192xf32> to vector<64x256xf32>
    %max3A_1258 = arith.maximumf %max3A_1256, %slice3A_1257 : vector<64x256xf32>
    %slice3A_1259 = vector.extract_strided_slice %max3A_1235 {offsets = [0, 3072], sizes = [64, 256], strides = [1, 1]} : vector<64x8192xf32> to vector<64x256xf32>
    %max3A_1260 = arith.maximumf %max3A_1258, %slice3A_1259 : vector<64x256xf32>
    %slice3A_1261 = vector.extract_strided_slice %max3A_1235 {offsets = [0, 3328], sizes = [64, 256], strides = [1, 1]} : vector<64x8192xf32> to vector<64x256xf32>
    %max3A_1262 = arith.maximumf %max3A_1260, %slice3A_1261 : vector<64x256xf32>
    %slice3A_1263 = vector.extract_strided_slice %max3A_1235 {offsets = [0, 3584], sizes = [64, 256], strides = [1, 1]} : vector<64x8192xf32> to vector<64x256xf32>
    %max3A_1264 = arith.maximumf %max3A_1262, %slice3A_1263 : vector<64x256xf32>
    %slice3A_1265 = vector.extract_strided_slice %max3A_1235 {offsets = [0, 3840], sizes = [64, 256], strides = [1, 1]} : vector<64x8192xf32> to vector<64x256xf32>
    %max3A_1266 = arith.maximumf %max3A_1264, %slice3A_1265 : vector<64x256xf32>
    %slice3A_1267 = vector.extract_strided_slice %max3A_1235 {offsets = [0, 4096], sizes = [64, 256], strides = [1, 1]} : vector<64x8192xf32> to vector<64x256xf32>
    %max3A_1268 = arith.maximumf %max3A_1266, %slice3A_1267 : vector<64x256xf32>
    %slice3A_1269 = vector.extract_strided_slice %max3A_1235 {offsets = [0, 4352], sizes = [64, 256], strides = [1, 1]} : vector<64x8192xf32> to vector<64x256xf32>
    %max3A_1270 = arith.maximumf %max3A_1268, %slice3A_1269 : vector<64x256xf32>
    %slice3A_1271 = vector.extract_strided_slice %max3A_1235 {offsets = [0, 4608], sizes = [64, 256], strides = [1, 1]} : vector<64x8192xf32> to vector<64x256xf32>
    %max3A_1272 = arith.maximumf %max3A_1270, %slice3A_1271 : vector<64x256xf32>
    %slice3A_1273 = vector.extract_strided_slice %max3A_1235 {offsets = [0, 4864], sizes = [64, 256], strides = [1, 1]} : vector<64x8192xf32> to vector<64x256xf32>
    %max3A_1274 = arith.maximumf %max3A_1272, %slice3A_1273 : vector<64x256xf32>
    %slice3A_1275 = vector.extract_strided_slice %max3A_1235 {offsets = [0, 5120], sizes = [64, 256], strides = [1, 1]} : vector<64x8192xf32> to vector<64x256xf32>
    %max3A_1276 = arith.maximumf %max3A_1274, %slice3A_1275 : vector<64x256xf32>
    %slice3A_1277 = vector.extract_strided_slice %max3A_1235 {offsets = [0, 5376], sizes = [64, 256], strides = [1, 1]} : vector<64x8192xf32> to vector<64x256xf32>
    %max3A_1278 = arith.maximumf %max3A_1276, %slice3A_1277 : vector<64x256xf32>
    %slice3A_1279 = vector.extract_strided_slice %max3A_1235 {offsets = [0, 5632], sizes = [64, 256], strides = [1, 1]} : vector<64x8192xf32> to vector<64x256xf32>
    %max3A_1280 = arith.maximumf %max3A_1278, %slice3A_1279 : vector<64x256xf32>
    %slice3A_1281 = vector.extract_strided_slice %max3A_1235 {offsets = [0, 5888], sizes = [64, 256], strides = [1, 1]} : vector<64x8192xf32> to vector<64x256xf32>
    %max3A_1282 = arith.maximumf %max3A_1280, %slice3A_1281 : vector<64x256xf32>
    %slice3A_1283 = vector.extract_strided_slice %max3A_1235 {offsets = [0, 6144], sizes = [64, 256], strides = [1, 1]} : vector<64x8192xf32> to vector<64x256xf32>
    %max3A_1284 = arith.maximumf %max3A_1282, %slice3A_1283 : vector<64x256xf32>
    %slice3A_1285 = vector.extract_strided_slice %max3A_1235 {offsets = [0, 6400], sizes = [64, 256], strides = [1, 1]} : vector<64x8192xf32> to vector<64x256xf32>
    %max3A_1286 = arith.maximumf %max3A_1284, %slice3A_1285 : vector<64x256xf32>
    %slice3A_1287 = vector.extract_strided_slice %max3A_1235 {offsets = [0, 6656], sizes = [64, 256], strides = [1, 1]} : vector<64x8192xf32> to vector<64x256xf32>
    %max3A_1288 = arith.maximumf %max3A_1286, %slice3A_1287 : vector<64x256xf32>
    %slice3A_1289 = vector.extract_strided_slice %max3A_1235 {offsets = [0, 6912], sizes = [64, 256], strides = [1, 1]} : vector<64x8192xf32> to vector<64x256xf32>
    %max3A_1290 = arith.maximumf %max3A_1288, %slice3A_1289 : vector<64x256xf32>
    %slice3A_1291 = vector.extract_strided_slice %max3A_1235 {offsets = [0, 7168], sizes = [64, 256], strides = [1, 1]} : vector<64x8192xf32> to vector<64x256xf32>
    %max3A_1292 = arith.maximumf %max3A_1290, %slice3A_1291 : vector<64x256xf32>
    %slice3A_1293 = vector.extract_strided_slice %max3A_1235 {offsets = [0, 7424], sizes = [64, 256], strides = [1, 1]} : vector<64x8192xf32> to vector<64x256xf32>
    %max3A_1294 = arith.maximumf %max3A_1292, %slice3A_1293 : vector<64x256xf32>
    %slice3A_1295 = vector.extract_strided_slice %max3A_1235 {offsets = [0, 7680], sizes = [64, 256], strides = [1, 1]} : vector<64x8192xf32> to vector<64x256xf32>
    %max3A_1296 = arith.maximumf %max3A_1294, %slice3A_1295 : vector<64x256xf32>
    %slice3A_1297 = vector.extract_strided_slice %max3A_1235 {offsets = [0, 7936], sizes = [64, 256], strides = [1, 1]} : vector<64x8192xf32> to vector<64x256xf32>
    %max3A_1298 = arith.maximumf %max3A_1296, %slice3A_1297 : vector<64x256xf32>
    %swap3A_1299 = arith.constant 6 : index
    %swap3A_1300 = arith.constant 0 : index
    %swap3A_1301 = arith.constant 0 : index
    %swap3A_1302 = vector.load %arg12[%swap3A_1299, %swap3A_1300, %swap3A_1301] : memref<8x64x256xf32, #tpu.memory_space<vmem>>, vector<1x64x256xf32>
    %swap3A_1303 = vector.shape_cast %swap3A_1302 : vector<1x64x256xf32> to vector<64x256xf32>
    %swap3A_1304 = vector.shape_cast %max3A_1298 : vector<64x256xf32> to vector<1x64x256xf32>
    tpu.vector_store %arg12[%swap3A_1299, %swap3A_1300, %swap3A_1301], %swap3A_1304 {strides = array<i32>} : memref<8x64x256xf32, #tpu.memory_space<vmem>>, vector<1x64x256xf32>,
    %get3A_1305 = arith.constant 448 : index
    %get3A_1306 = arith.constant 0 : index
    %get3A_1307 = vector.load %arg14[%get3A_1305, %get3A_1306] : memref<512x8192xf32, #tpu.memory_space<vmem>>, vector<64x8192xf32>
    %sub3A_1308 = vector.broadcast %div3A_624 : vector<64x1xf32> to vector<64x8192xf32>
    %sub3A_1309 = arith.subf %get3A_1307, %sub3A_1308 : vector<64x8192xf32>
    %mul3A_1310 = vector.broadcast %div3A_717 : vector<64x1xf32> to vector<64x8192xf32>
    %mul3A_1311 = arith.mulf %sub3A_1309, %mul3A_1310 : vector<64x8192xf32>
    %get3A_1312 = arith.constant 0 : index
    %get3A_1313 = arith.constant 0 : index
    %get3A_1314 = vector.load %arg11[%get3A_1312, %get3A_1313] : memref<64x1xf32, #tpu.memory_space<vmem>>, vector<64x1xf32>
    %add3A_1315 = vector.broadcast %get3A_1314 : vector<64x1xf32> to vector<64x8192xf32>
    %add3A_1316 = arith.addf %mul3A_1311, %add3A_1315 : vector<64x8192xf32>
    %max3A_1317 = arith.constant 0.000000e+00 : f32
    %max3A_1318 = vector.broadcast %max3A_1317 : f32 to vector<64x8192xf32>
    %max3A_1319 = arith.maximumf %add3A_1316, %max3A_1318 : vector<64x8192xf32>
    %slice3A_1320 = vector.extract_strided_slice %max3A_1319 {offsets = [0, 0], sizes = [64, 256], strides = [1, 1]} : vector<64x8192xf32> to vector<64x256xf32>
    %slice3A_1321 = vector.extract_strided_slice %max3A_1319 {offsets = [0, 256], sizes = [64, 256], strides = [1, 1]} : vector<64x8192xf32> to vector<64x256xf32>
    %max3A_1322 = arith.maximumf %slice3A_1320, %slice3A_1321 : vector<64x256xf32>
    %slice3A_1323 = vector.extract_strided_slice %max3A_1319 {offsets = [0, 512], sizes = [64, 256], strides = [1, 1]} : vector<64x8192xf32> to vector<64x256xf32>
    %max3A_1324 = arith.maximumf %max3A_1322, %slice3A_1323 : vector<64x256xf32>
    %slice3A_1325 = vector.extract_strided_slice %max3A_1319 {offsets = [0, 768], sizes = [64, 256], strides = [1, 1]} : vector<64x8192xf32> to vector<64x256xf32>
    %max3A_1326 = arith.maximumf %max3A_1324, %slice3A_1325 : vector<64x256xf32>
    %slice3A_1327 = vector.extract_strided_slice %max3A_1319 {offsets = [0, 1024], sizes = [64, 256], strides = [1, 1]} : vector<64x8192xf32> to vector<64x256xf32>
    %max3A_1328 = arith.maximumf %max3A_1326, %slice3A_1327 : vector<64x256xf32>
    %slice3A_1329 = vector.extract_strided_slice %max3A_1319 {offsets = [0, 1280], sizes = [64, 256], strides = [1, 1]} : vector<64x8192xf32> to vector<64x256xf32>
    %max3A_1330 = arith.maximumf %max3A_1328, %slice3A_1329 : vector<64x256xf32>
    %slice3A_1331 = vector.extract_strided_slice %max3A_1319 {offsets = [0, 1536], sizes = [64, 256], strides = [1, 1]} : vector<64x8192xf32> to vector<64x256xf32>
    %max3A_1332 = arith.maximumf %max3A_1330, %slice3A_1331 : vector<64x256xf32>
    %slice3A_1333 = vector.extract_strided_slice %max3A_1319 {offsets = [0, 1792], sizes = [64, 256], strides = [1, 1]} : vector<64x8192xf32> to vector<64x256xf32>
    %max3A_1334 = arith.maximumf %max3A_1332, %slice3A_1333 : vector<64x256xf32>
    %slice3A_1335 = vector.extract_strided_slice %max3A_1319 {offsets = [0, 2048], sizes = [64, 256], strides = [1, 1]} : vector<64x8192xf32> to vector<64x256xf32>
    %max3A_1336 = arith.maximumf %max3A_1334, %slice3A_1335 : vector<64x256xf32>
    %slice3A_1337 = vector.extract_strided_slice %max3A_1319 {offsets = [0, 2304], sizes = [64, 256], strides = [1, 1]} : vector<64x8192xf32> to vector<64x256xf32>
    %max3A_1338 = arith.maximumf %max3A_1336, %slice3A_1337 : vector<64x256xf32>
    %slice3A_1339 = vector.extract_strided_slice %max3A_1319 {offsets = [0, 2560], sizes = [64, 256], strides = [1, 1]} : vector<64x8192xf32> to vector<64x256xf32>
    %max3A_1340 = arith.maximumf %max3A_1338, %slice3A_1339 : vector<64x256xf32>
    %slice3A_1341 = vector.extract_strided_slice %max3A_1319 {offsets = [0, 2816], sizes = [64, 256], strides = [1, 1]} : vector<64x8192xf32> to vector<64x256xf32>
    %max3A_1342 = arith.maximumf %max3A_1340, %slice3A_1341 : vector<64x256xf32>
    %slice3A_1343 = vector.extract_strided_slice %max3A_1319 {offsets = [0, 3072], sizes = [64, 256], strides = [1, 1]} : vector<64x8192xf32> to vector<64x256xf32>
    %max3A_1344 = arith.maximumf %max3A_1342, %slice3A_1343 : vector<64x256xf32>
    %slice3A_1345 = vector.extract_strided_slice %max3A_1319 {offsets = [0, 3328], sizes = [64, 256], strides = [1, 1]} : vector<64x8192xf32> to vector<64x256xf32>
    %max3A_1346 = arith.maximumf %max3A_1344, %slice3A_1345 : vector<64x256xf32>
    %slice3A_1347 = vector.extract_strided_slice %max3A_1319 {offsets = [0, 3584], sizes = [64, 256], strides = [1, 1]} : vector<64x8192xf32> to vector<64x256xf32>
    %max3A_1348 = arith.maximumf %max3A_1346, %slice3A_1347 : vector<64x256xf32>
    %slice3A_1349 = vector.extract_strided_slice %max3A_1319 {offsets = [0, 3840], sizes = [64, 256], strides = [1, 1]} : vector<64x8192xf32> to vector<64x256xf32>
    %max3A_1350 = arith.maximumf %max3A_1348, %slice3A_1349 : vector<64x256xf32>
    %slice3A_1351 = vector.extract_strided_slice %max3A_1319 {offsets = [0, 4096], sizes = [64, 256], strides = [1, 1]} : vector<64x8192xf32> to vector<64x256xf32>
    %max3A_1352 = arith.maximumf %max3A_1350, %slice3A_1351 : vector<64x256xf32>
    %slice3A_1353 = vector.extract_strided_slice %max3A_1319 {offsets = [0, 4352], sizes = [64, 256], strides = [1, 1]} : vector<64x8192xf32> to vector<64x256xf32>
    %max3A_1354 = arith.maximumf %max3A_1352, %slice3A_1353 : vector<64x256xf32>
    %slice3A_1355 = vector.extract_strided_slice %max3A_1319 {offsets = [0, 4608], sizes = [64, 256], strides = [1, 1]} : vector<64x8192xf32> to vector<64x256xf32>
    %max3A_1356 = arith.maximumf %max3A_1354, %slice3A_1355 : vector<64x256xf32>
    %slice3A_1357 = vector.extract_strided_slice %max3A_1319 {offsets = [0, 4864], sizes = [64, 256], strides = [1, 1]} : vector<64x8192xf32> to vector<64x256xf32>
    %max3A_1358 = arith.maximumf %max3A_1356, %slice3A_1357 : vector<64x256xf32>
    %slice3A_1359 = vector.extract_strided_slice %max3A_1319 {offsets = [0, 5120], sizes = [64, 256], strides = [1, 1]} : vector<64x8192xf32> to vector<64x256xf32>
    %max3A_1360 = arith.maximumf %max3A_1358, %slice3A_1359 : vector<64x256xf32>
    %slice3A_1361 = vector.extract_strided_slice %max3A_1319 {offsets = [0, 5376], sizes = [64, 256], strides = [1, 1]} : vector<64x8192xf32> to vector<64x256xf32>
    %max3A_1362 = arith.maximumf %max3A_1360, %slice3A_1361 : vector<64x256xf32>
    %slice3A_1363 = vector.extract_strided_slice %max3A_1319 {offsets = [0, 5632], sizes = [64, 256], strides = [1, 1]} : vector<64x8192xf32> to vector<64x256xf32>
    %max3A_1364 = arith.maximumf %max3A_1362, %slice3A_1363 : vector<64x256xf32>
    %slice3A_1365 = vector.extract_strided_slice %max3A_1319 {offsets = [0, 5888], sizes = [64, 256], strides = [1, 1]} : vector<64x8192xf32> to vector<64x256xf32>
    %max3A_1366 = arith.maximumf %max3A_1364, %slice3A_1365 : vector<64x256xf32>
    %slice3A_1367 = vector.extract_strided_slice %max3A_1319 {offsets = [0, 6144], sizes = [64, 256], strides = [1, 1]} : vector<64x8192xf32> to vector<64x256xf32>
    %max3A_1368 = arith.maximumf %max3A_1366, %slice3A_1367 : vector<64x256xf32>
    %slice3A_1369 = vector.extract_strided_slice %max3A_1319 {offsets = [0, 6400], sizes = [64, 256], strides = [1, 1]} : vector<64x8192xf32> to vector<64x256xf32>
    %max3A_1370 = arith.maximumf %max3A_1368, %slice3A_1369 : vector<64x256xf32>
    %slice3A_1371 = vector.extract_strided_slice %max3A_1319 {offsets = [0, 6656], sizes = [64, 256], strides = [1, 1]} : vector<64x8192xf32> to vector<64x256xf32>
    %max3A_1372 = arith.maximumf %max3A_1370, %slice3A_1371 : vector<64x256xf32>
    %slice3A_1373 = vector.extract_strided_slice %max3A_1319 {offsets = [0, 6912], sizes = [64, 256], strides = [1, 1]} : vector<64x8192xf32> to vector<64x256xf32>
    %max3A_1374 = arith.maximumf %max3A_1372, %slice3A_1373 : vector<64x256xf32>
    %slice3A_1375 = vector.extract_strided_slice %max3A_1319 {offsets = [0, 7168], sizes = [64, 256], strides = [1, 1]} : vector<64x8192xf32> to vector<64x256xf32>
    %max3A_1376 = arith.maximumf %max3A_1374, %slice3A_1375 : vector<64x256xf32>
    %slice3A_1377 = vector.extract_strided_slice %max3A_1319 {offsets = [0, 7424], sizes = [64, 256], strides = [1, 1]} : vector<64x8192xf32> to vector<64x256xf32>
    %max3A_1378 = arith.maximumf %max3A_1376, %slice3A_1377 : vector<64x256xf32>
    %slice3A_1379 = vector.extract_strided_slice %max3A_1319 {offsets = [0, 7680], sizes = [64, 256], strides = [1, 1]} : vector<64x8192xf32> to vector<64x256xf32>
    %max3A_1380 = arith.maximumf %max3A_1378, %slice3A_1379 : vector<64x256xf32>
    %slice3A_1381 = vector.extract_strided_slice %max3A_1319 {offsets = [0, 7936], sizes = [64, 256], strides = [1, 1]} : vector<64x8192xf32> to vector<64x256xf32>
    %max3A_1382 = arith.maximumf %max3A_1380, %slice3A_1381 : vector<64x256xf32>
    %swap3A_1383 = arith.constant 7 : index
    %swap3A_1384 = arith.constant 0 : index
    %swap3A_1385 = arith.constant 0 : index
    %swap3A_1386 = vector.load %arg12[%swap3A_1383, %swap3A_1384, %swap3A_1385] : memref<8x64x256xf32, #tpu.memory_space<vmem>>, vector<1x64x256xf32>
    %swap3A_1387 = vector.shape_cast %swap3A_1386 : vector<1x64x256xf32> to vector<64x256xf32>
    %swap3A_1388 = vector.shape_cast %max3A_1382 : vector<64x256xf32> to vector<1x64x256xf32>
    tpu.vector_store %arg12[%swap3A_1383, %swap3A_1384, %swap3A_1385], %swap3A_1388 {strides = array<i32>} : memref<8x64x256xf32, #tpu.memory_space<vmem>>, vector<1x64x256xf32>,
    return
  }
}

</mosaic_0001>

<sc_bundles>
// kernel: kernel.6.cloned.1.call-start
scs
__scs_entry_jumppad:
0x0: {  	(pc) =	sbr.rel $0x88, $3  }
0x1: {  	(tag) =	ssettag $0x0;
	lr =	simm.s32 $0x1  }
0x2: {  	[smem:$0x3F98] =	sst lr;
	_ =	strace $0xD0000000  }
0x3: {  	_ = 	snop  }
0x4: {  	_ = 	snop  }
0x5: {  	_ = 	snop  }
0x6: {  	_ = 	snop  }
0x7: {  	_ = 	snop  }
__scs_overlays_trampoline_lowered:
0x8: {  	[smem:$0x3FA7] =	sst s0  }
0x9: {  	[smem:$0x3FA8] =	sst s1  }
0xa: {  	[smem:$0x3FA9] =	sst s2  }
0xb: {  	[smem:$0x3FAA] =	sst s3  }
0xc: {  	[smem:$0x3FAB] =	sst s4  }
0xd: {  	[smem:$0x3FAC] =	sst s5  }
0xe: {  	[smem:$0x3FAD] =	sst s6  }
0xf: {  	[smem:$0x3FAE] =	sst s7  }
0x10: {  	[smem:$0x3FAF] =	sst s8  }
0x11: {  	[smem:$0x3FB0] =	sst s9;
	s0 =	simm.s32 @!p0 $0x0  }
0x12: {  	s1 =	sld [smem:$0x3F96];
	s0 =	simm.s32 @p0 $0x1  }
0x13: {  	[smem:$0x3FB1] =	sst s0;
	s0 =	simm.s32 @!p1 $0x0  }
0x14: {  	s2 =	sld [smem:$0x3F95];
	s0 =	simm.s32 @p1 $0x1  }
0x15: {  	[smem:$0x3FB2] =	sst s0;
	s0 =	simm.s32 @!p2 $0x0  }
0x16: {  	s3 =	sld [smem:$0x3FDB];
	s0 =	simm.s32 @p2 $0x1  }
0x17: {  	s4 =	simm.s32 $0x1BF5;
	[smem:$0x3FB4] =	sst s0  }
0x18: {  	s0 =	sld [smem:$0x3F97];
	_ =	swait.ge [sflag:s4], $0x0  }
0x19: {  	s7 =	sld [smem:$0x3F98]  }
0x1a: {  	s8 =	sadd.s32 $0xFFFFE003, lr  }
0x1b: {  	s9 =	sadd.s32 $0xFFFFFEF7, lr;
	s5 =	simm.s32 $0xFFFFFFFF;
	p2 =	slt.u32 s8, $0xFFFFF086  }
0x1c: {  	p1 =	slt.u32 s9, $0xF7A;
	s5 =	simm.s32 @!p2 $0x0  }
0x1d: {  	s5 =	simm.s32 @p1 $0x1;
	p0 =	seq.s32 s7, s2  }
0x1e: {  	s7 =	smul.u32 @!p0 $0xF7A, s2;
	p2 =	seq.s32 @!p0 s5, $0x0  }
0x1f: {  	s9 =	smul.u32 $0xF7A, s1;
	s8 =	simm.s32 @!p0 $0x1BF5;
	p2 =	por !p2, p0  }
0x20: {  	[sflag:s8] =	ssyncset.s32 @!p0 $0xFFFFF086;
	s6 =	sadd.s32 @!p0 s3, s7;
	s7 =	simm.s32 @!p0 $0x108  }
0x21: {  	s3 =	sadd.s32 s3, s9;
	s6 =	sadd.s32 @!p0 $0x88, s6;
	s7 =	simm.s32 @p2 $0x1082  }
0x22: {  	[simem:s7], [sflag:s8] =	dma.local @!p0 [hbm:s6], $0xF7A  }
0x23: {  	s9 =	sor.u32 $0xD0000000, s2;
	s6 =	simm.s32 $0x108;
	_ =	swait.ge @!p0 [sflag:s8], $0x0  }
0x24: {  	s3 =	sadd.s32 $0x88, s3;
	s6 =	simm.s32 @!p1 $0x1082;
	[sflag:s4] =	ssyncset.s32 $0xFFFFF086  }
0x25: {  	[simem:s6], [sflag:s4] =	dma.local [hbm:s3], $0xF7A  }
0x26: {  	[smem:$0x3F98] =	sst s1;
	(tag) =	ssettag s2;
	_ =	strace s9  }
0x27: {  	s1 =	sld [smem:$0x3FA8]  }
0x28: {  	s2 =	sld [smem:$0x3FA9]  }
0x29: {  	s4 =	sld [smem:$0x3FAB]  }
0x2a: {  	p0 =	seq.s32 s5, $0x0;
	s5 =	sld [smem:$0x3FAC]  }
0x2b: {  	s6 =	sld [smem:$0x3FAD]  }
0x2c: {  	s7 =	sld [smem:$0x3FAE]  }
0x2d: {  	s3 =	simm.s32 $0x108;
	s8 =	sld [smem:$0x3FAF]  }
0x2e: {  	s3 =	simm.s32 @!p0 $0x1082;
	s9 =	sld [smem:$0x3FB0]  }
0x2f: {  	lr =	sadd.s32 s0, s3;
	s0 =	sld [smem:$0x3FA7]  }
0x30: {  	s3 =	sld [smem:$0x3FAA]  }
0x31: {  	[smem:$0x3FB3] =	sst s10  }
0x32: {  	s10 =	sld [smem:$0x3FB1];
	_ =	sdelay $0x3  }
0x33: {  	p0 =	seq.s32 s10, $0x1;
	s10 =	sld [smem:$0x3FB3];
	_ =	sdelay $0x3  }
0x34: {  	[smem:$0x3FB3] =	sst s10  }
0x35: {  	s10 =	sld [smem:$0x3FB2];
	_ =	sdelay $0x3  }
0x36: {  	p1 =	seq.s32 s10, $0x1;
	s10 =	sld [smem:$0x3FB3];
	_ =	sdelay $0x3  }
0x37: {  	[smem:$0x3FB3] =	sst s10  }
0x38: {  	s10 =	sld [smem:$0x3FB4]  }
0x39: {  	_ = 	snop;
	(pc) =	sbr.ind lr, $3  }
0x3a: {  	_ = 	snop  }
0x3b: {  	_ = 	snop  }
0x3c: {  	p2 =	seq.s32 s10, $0x1;
	s10 =	sld [smem:$0x3FB3]  }
0x3d: {  	_ =	shalt  }
0x3e: {  	_ =	shalt  }
0x3f: {  	_ =	shalt  }
0x40: {  	_ =	shalt  }
0x41: {  	_ =	shalt  }
0x42: {  	_ =	shalt  }
0x43: {  	_ =	shalt  }
0x44: {  	_ =	shalt  }
0x45: {  	_ =	shalt  }
0x46: {  	_ =	shalt  }
0x47: {  	_ =	shalt  }
0x48: {  	_ =	shalt  }
0x49: {  	_ =	shalt  }
0x4a: {  	_ =	shalt  }
0x4b: {  	_ =	shalt  }
0x4c: {  	_ =	shalt  }
0x4d: {  	_ =	shalt  }
0x4e: {  	_ =	shalt  }
0x4f: {  	_ =	shalt  }
0x50: {  	_ =	shalt  }
0x51: {  	_ =	shalt  }
0x52: {  	_ =	shalt  }
0x53: {  	_ =	shalt  }
0x54: {  	_ =	shalt  }
0x55: {  	_ =	shalt  }
0x56: {  	_ =	shalt  }
0x57: {  	_ =	shalt  }
0x58: {  	_ =	shalt  }
0x59: {  	_ =	shalt  }
0x5a: {  	_ =	shalt  }
0x5b: {  	_ =	shalt  }
0x5c: {  	_ =	shalt  }
0x5d: {  	_ =	shalt  }
0x5e: {  	_ =	shalt  }
0x5f: {  	_ =	shalt  }
0x60: {  	_ =	shalt  }
0x61: {  	_ =	shalt  }
0x62: {  	_ =	shalt  }
0x63: {  	_ =	shalt  }
0x64: {  	_ =	shalt  }
0x65: {  	_ =	shalt  }
0x66: {  	_ =	shalt  }
0x67: {  	_ =	shalt  }
0x68: {  	_ =	shalt  }
0x69: {  	_ =	shalt  }
0x6a: {  	_ =	shalt  }
0x6b: {  	_ =	shalt  }
0x6c: {  	_ =	shalt  }
0x6d: {  	_ =	shalt  }
0x6e: {  	_ =	shalt  }
0x6f: {  	_ =	shalt  }
0x70: {  	_ =	shalt  }
0x71: {  	_ =	shalt  }
0x72: {  	_ =	shalt  }
0x73: {  	_ =	shalt  }
0x74: {  	_ =	shalt  }
0x75: {  	_ =	shalt  }
0x76: {  	_ =	shalt  }
0x77: {  	_ =	shalt  }
0x78: {  	_ =	shalt  }
0x79: {  	_ =	shalt  }
0x7a: {  	_ =	shalt  }
0x7b: {  	_ =	shalt  }
0x7c: {  	_ =	shalt  }
0x7d: {  	_ =	shalt  }
0x7e: {  	_ =	shalt  }
0x7f: {  	_ =	shalt  }
0x80: {  	_ =	shalt  }
0x81: {  	_ =	shalt  }
0x82: {  	_ =	shalt  }
0x83: {  	_ =	shalt  }
0x84: {  	_ =	shalt  }
0x85: {  	_ =	shalt  }
0x86: {  	_ =	shalt  }
0x87: {  	_ =	shalt  }
.Lfunc_end0:
.L_simem_size_0:
called_computation_lowered:
.L_overlay_start_0:
0x88: {  	s2 =	sld [smem:$0x3FD9]  }
0x89: {  	s3 =	sld [smem:$0x3FFE];
	_ =	sdelay $0x1  }
0x8a: {  	s1 =	srdreg.scid  }
0x8b: {  	s0 =	sand.u32 $0x1, s1  }
0x8c: {  	s14 =	sshll.u32 s0, $0xA;
	s2 =	sadd.s32 s3, s2  }
0x8d: {  	s2 =	sadd.s32 s2, s14  }
0x8e: {  	[smem:$0x3FBF] =	sst s2  }
0x8f: {  	_ = 	snop  }
0x90: {  	s2 =	sld [smem:$0x3FD0];
	_ =	sdelay $0x2  }
0x91: {  	s15 =	simm.s32 $0xA;
	s4 =	simm.s32 $0x10  }
0x92: {  	[smem:s4], [sflag:s15] =	dma.local [hbm:s2], $0x1  }
0x93: {  	_ =	swait.eq [sflag:s15], $0x1  }
0x94: {  	[sflag:s15] =	ssyncset.done $0x0  }
0x95: {  	[sflag:s15] =	ssyncadd.s32 $0xFFFFFFFF  }
0x96: {  	s16 =	sld [smem:$0x10];
	(tm) =	ssettm $0x1  }
0x97: {  	s17 =	sld [smem:$0x3FFB];
	_ =	sdelay $0x3  }
0x98: {  	_ =	strace s17  }
0x99: {  	s3 =	sld [smem:$0x3FFC];
	_ =	sdelay $0x3  }
0x9a: {  	_ =	strace s3  }
0x9b: {  	s3 =	sld [smem:$0x3FFD];
	_ =	sdelay $0x3  }
0x9c: {  	_ =	strace s3  }
0x9d: {  	_ =	strace $0x8FFFFFFF  }
0x9e: {  	s18 =	sld [smem:$0x3FDB];
	_ =	sdelay $0x1  }
0x9f: {  	s19 =	simm.s32 $_scs_section_size  }
0xa0: {  	s5 =	simm.s32 $_size__tile_overlayer_lowered;
	s6 =	simm.s32 $_tile_overlayer_lowered  }
0xa1: {  	s22 =	simm.s32 $0x1BFF;
	s21 =	sshll.u32 s6, $0x1;
	s3 =	sadd.s32 s19, s18  }
0xa2: {  	s7 =	simm.s32 $0x0;
	s20 =	sshll.u32 s5, $0x1;
	s5 =	sadd.s32 s21, s3  }
0xa3: {  	[timem:s7], [sflag:s22] =	dma.local [hbm:s5], s20  }
0xa4: {  	_ =	swait.ge [sflag:s22], s20  }
0xa5: {  	s4 =	ssub.s32 $0x0, s20;
	[sflag:s22] =	ssyncset.done $0x0  }
0xa6: {  	[sflag:s22] =	ssyncadd.s32 s4;
	_ =	sdelay $0x1  }
0xa7: {  	s23 =	simm.s32 $0x1B8B  }
0xa8: {  	_ =	swait.ge [sflag:s23], $0x1  }
0xa9: {  	[sflag:s23] =	ssyncset.done $0x0  }
0xaa: {  	s25 =	simm.s32 $0x1B8E;
	s24 =	sld [smem:$0x3FFE];
	[sflag:s23] =	ssyncadd.s32 $0xFFFFFFFF  }
0xab: {  	s26 =	simm.s32 $execute0_lowered;
	[smem:$0x3FD2] =	sst s25  }
0xac: {  	s5 =	sshll.u32 s26, $0x1;
	_ =	strace $0x80000046;
	[dreg:$0x1] =	wrdreg $0xFFFFFFFF  }
0xad: {  	s28 =	simm.s32 $_size_execute0_lowered;
	s3 =	sadd.s32 s3, s5;
	[dreg:$0x0] =	wrdreg $0x0  }
0xae: {  	s5 =	sshll.u32 s28, $0x1;
	[dreg:$0x2] =	wrdreg s3  }
0xaf: {  	[dreg:$0x3] =	wrdreg s5  }
0xb0: {  	[dreg:$0x4] =	wrdreg $0xC0  }
0xb1: {  	_ =	task [dreg:s7], $0x5FFFF  }
0xb2: {  	[dreg:$0x1] =	wrdreg $0xFFFFFFFF  }
0xb3: {  	[dreg:$0x0] =	wrdreg $0x60  }
0xb4: {  	[dreg:$0x2] =	wrdreg s24  }
0xb5: {  	[dreg:$0x3] =	wrdreg s16  }
0xb6: {  	[dreg:$0x4] =	wrdreg $0x9  }
0xb7: {  	_ =	task.clear_ibuf [dreg:s7], $0x5FFFF;
	_ =	strace $0x90000046  }
0xb8: {  	s29 =	simm.s32 $0x9;
	_ =	strace $0x80000048  }
0xb9: {  	_ =	swait.ge [sflag:s29], $0x1  }
0xba: {  	[sflag:s29] =	ssyncadd.s32 $0xFFFFFFFF  }
0xbb: {  	_ =	strace $0x90000048  }
0xbc: {  	_ =	sfence  }
0xbd: {  	s30 =	sld [smem:$0x0];
	_ =	sdelay $0x2  }
0xbe: {  	s31 =	sshll.u32 s1, $0xD;
	s1 =	sshrl.u32 s1, $0x2  }
0xbf: {  	s3 =	sand.u32 $0x4000, s31;
	s1 =	sadd.s32 s1, s30  }
0xc0: {  	s0 =	sor.u32 s3, s0;
	s1 =	sshll.u32 s1, $0x11  }
0xc1: {  	s0 =	sor.u32 s1, s0  }
0xc2: {  	s0 =	sadd.s32 $0x8F2B, s0  }
0xc3: {  	[sflag:s0] =	ssyncadd.remote.s32 $0x1  }
0xc4: {  	_ =	sfence.sel $0xFFFF  }
0xc5: {  	[dreg:$0x0] =	wrdreg $0xFFFFFFFF;
	(pc) =	sbr.abs _section_cstart, $3  }
0xc6: {  	[dreg:$0x1] =	wrdreg $0xFFFFFFFF  }
0xc7: {  	_ =	task.clear_ibuf [dreg:s7], $0x2FFFF;
	_ =	strace $0x9FFFFFFF  }
0xc8: {  	(tm) =	ssettm $0x7FFFFFFF  }
0xc9: {  	_ =	shalt  }
tec
execute0_lowered:
.L_overlay_start_1:
0x0: {  	(tag) =	ssettag $0x1  }
0x1: {  	s3 =	rddreg [dreg:$0x0]  }
0x2: {  	s6 =	rddreg [dreg:$0x1]  }
0x3: {  	s0 =	rddreg [dreg:$0x2];
	s2 =	simm.s32 $0x0;
	s4 =	srdreg.scid  }
0x4: {  	s1 =	stileid.u32;
	s15 =	simm.s32 $0xC800;
	s16 =	simm.s32 $0xD000  }
0x5: {  	s17 =	simm.s32 $0xD800;
	s18 =	simm.s32 $0x0;
	[smem:$0x7FF] =	sst s2  }
0x6: {  	s5 =	sadd.s32 $0x1800, s3;
	s4 =	sand.u32 $0x1, s4;
	s7 =	sshrl.u32 s1, $0x1  }
0x7: {  	s9 =	sadd.s32 $0xD800, s3;
	s11 =	sshll.u32 s1, $0x1;
	s8 =	smul.u32 $0x3, s7  }
0x8: {  	_ =	strace $0x80000047;
	s24 =	ssub.s32 $0x2, s4;
	s12 =	smul.u32 $0x1800, s7  }
0x9: {  	s25 =	sand.u32 $0x2, s11;
	s14 =	sshll.u32 s7, $0xD;
	s10 =	sshrl.u32 s24, $0x1  }
0xa: {  	s7 =	smul.u32 $0x6000, s7;
	s4 =	sor.u32 s4, s25;
	s10 =	ssub.s32 s24, s10  }
0xb: {  	s26 =	sadd.s32 $0x1, s8;
	s3 =	sadd.s32 s5, s12;
	s8 =	sadd.s32 $0x2, s8  }
0xc: {  	s13 =	sshll.u32 s4, $0xB;
	s12 =	simm.s32 $0x4000;
	s28 =	sshll.u32 s26, $0xB  }
0xd: {  	s29 =	sshll.u32 s8, $0xB;
	s14 =	sor.u32 s14, s13;
	s11 =	sshll.u32 s26, $0xD  }
0xe: {  	s8 =	sshll.u32 s8, $0xD;
	s7 =	sor.u32 s7, s13;
	s10 =	smax.u32 s10, $0x1  }
0xf: {  	s4 =	sadd.s32 s5, s28;
	s5 =	sadd.s32 s5, s29;
	s30 =	sshrl.u32 s14, $0x3  }
0x10: {  	s11 =	sor.u32 s13, s11;
	s8 =	sor.u32 s13, s8;
	s7 =	sshrl.u32 s7, $0x3  }
0x11: {  	s13 =	simm.s32 $0x8000;
	s14 =	simm.s32 $0xC000;
	s6 =	sadd.s32 s6, s30  }
0x12: {  	s11 =	sshrl.u32 s11, $0x3;
	s31 =	sshrl.u32 s8, $0x3;
	s7 =	sadd.s32 s9, s7  }
0x13: {  	s8 =	sadd.s32 s9, s11;
	s9 =	sadd.s32 s9, s31;
	s11 =	simm.s32 $0x1  }
.LBB2_1:
0x14: {  	[tilespmem:s2], [sflag:$0x1] =	stream.linear.gather [hbm4b:s3+s2], $0x4000, $0x38;
	[tilespmem:$0xE000] =	vst v63  }
0x15: {  	_ =	swait.ge [sflag:s11], $0x4000  }
0x16: {  	[sflag:s11] =	ssyncset.done $0x0  }
0x17: {  	[sflag:s11] =	ssyncadd.s32 $0xFFFFC000  }
0x18: {  	[tilespmem:s12], [sflag:$0x1] =	stream.linear.gather [hbm4b:s4+s2], $0x4000, $0x38;
	[tilespmem:$0xE000] =	vst v63  }
0x19: {  	_ =	swait.ge [sflag:s11], $0x4000  }
0x1a: {  	[sflag:s11] =	ssyncset.done $0x0  }
0x1b: {  	[sflag:s11] =	ssyncadd.s32 $0xFFFFC000  }
0x1c: {  	[tilespmem:s13], [sflag:$0x1] =	stream.linear.gather [hbm4b:s5+s2], $0x4000, $0x38;
	[tilespmem:$0xE000] =	vst v63  }
0x1d: {  	_ =	swait.ge [sflag:s11], $0x4000  }
0x1e: {  	[sflag:s11] =	ssyncset.done $0x0  }
0x1f: {  	[sflag:s11] =	ssyncadd.s32 $0xFFFFC000  }
0x20: {  	[tilespmem:s14], [sflag:$0x1] =	stream.linear.gather [hbm4b:s6+s2], $0x800, $0x38;
	[tilespmem:$0xE000] =	vst v63  }
0x21: {  	_ =	swait.ge [sflag:s11], $0x800  }
0x22: {  	[sflag:s11] =	ssyncset.done $0x0  }
0x23: {  	s19 =	simm.s32 $0x0;
	[sflag:s11] =	ssyncadd.s32 $0xFFFFF800  }
0x24: {  	v0 =	vld [tilespmem:s19+$0xC000];
	_ =	sdelay $0x7  }
0x25: {  	v1 =	vld.idx.msk [tilespmem:v0+s2+$0x0], $0xffff;
	_ =	sdelay $0x4  }
0x26: {  	[tilespmem:s19+$0xC800] =	vst v1  }
0x27: {  	v1 =	vld.idx.msk [tilespmem:v0+s12+$0x0], $0xffff;
	_ =	sdelay $0x3  }
0x28: {  	s21 =	simm.s32 $0x10;
	s20 =	simm.s32 $0x80  }
.LBB2_2:
0x29: {  	p0 =	sne.s32 s20, $0x1FC0;
	v2 =	vld [tilespmem:s21+$0xC000];
	[tilespmem:s19+$0xD000] =	vst v1  }
0x2a: {  	v1 =	vld.idx.msk [tilespmem:v0+s13+$0x0], $0xffff;
	_ =	sdelay $0x3  }
0x2b: {  	v0 =	vmov v2;
	_ =	sdelay $0x1  }
0x2c: {  	[tilespmem:s19+$0xD800] =	vst v1;
	s19 =	smov.u32 s21  }
0x2d: {  	v1 =	vld.idx.msk [tilespmem:v2+s2+$0x0], $0xffff;
	_ =	sdelay $0x5  }
0x2e: {  	[tilespmem:s19+$0xC800] =	vst v1  }
0x2f: {  	v1 =	vld.idx.msk [tilespmem:v2+s12+$0x0], $0xffff  }
.Ltmp0:
0x30: {  	(pc) =	sbr.rel @p0 .LBB2_2-.Ltmp0, $2  }
0x31: {  	_ =	sdelay $0x2  }
0x32: {  	s21 =	sshra.s32 s20, $0x2;
	s20 =	sadd.s32 $0x40, s20  }
0x33: {  	_ =	sdelay $0x1  }
0x34: {  	v2 =	vld [tilespmem:s21+$0xC000]  }
0x35: {  	[tilespmem:s19+$0xD000] =	vst v1  }
0x36: {  	v0 =	vld.idx.msk [tilespmem:v0+s13+$0x0], $0xffff;
	_ =	sdelay $0x4  }
0x37: {  	[tilespmem:s19+$0xD800] =	vst v0  }
0x38: {  	v0 =	vld.idx.msk [tilespmem:v2+s2+$0x0], $0xffff;
	_ =	sdelay $0x4  }
0x39: {  	[tilespmem:s21+$0xC800] =	vst v0  }
0x3a: {  	v0 =	vld.idx.msk [tilespmem:v2+s12+$0x0], $0xffff;
	_ =	sdelay $0x4  }
0x3b: {  	[tilespmem:s21+$0xD000] =	vst v0  }
0x3c: {  	v0 =	vld.idx.msk [tilespmem:v2+s13+$0x0], $0xffff;
	_ =	sdelay $0x4  }
0x3d: {  	[tilespmem:s21+$0xD800] =	vst v0  }
0x3e: {  	[hbm4b:s7+s2] =	stream.linear.scatter [tilespmem:s15], [sflag:$0x1], $0x800, $0x38;
	[tilespmem:$0xE000] =	vst v63  }
0x3f: {  	_ =	swait.ge [sflag:s11], $0x800  }
0x40: {  	[sflag:s11] =	ssyncset.done $0x0  }
0x41: {  	[sflag:s11] =	ssyncadd.s32 $0xFFFFF800  }
0x42: {  	[hbm4b:s8+s2] =	stream.linear.scatter [tilespmem:s16], [sflag:$0x1], $0x800, $0x38;
	[tilespmem:$0xE000] =	vst v63  }
0x43: {  	s18 =	sadd.s32 $0x1, s18;
	_ =	swait.ge [sflag:s11], $0x800  }
0x44: {  	p0 =	sne.s32 s18, s10;
	[sflag:s11] =	ssyncset.done $0x0  }
.Ltmp1:
0x45: {  	[sflag:s11] =	ssyncadd.s32 $0xFFFFF800;
	(pc) =	sbr.rel @p0 .LBB2_1-.Ltmp1, $4  }
0x46: {  	[hbm4b:s9+s2] =	stream.linear.scatter [tilespmem:s17], [sflag:$0x1], $0x800, $0x38;
	[tilespmem:$0xE000] =	vst v63  }
0x47: {  	_ =	swait.ge [sflag:s11], $0x800  }
0x48: {  	[sflag:s11] =	ssyncset.done $0x0  }
0x49: {  	[sflag:s11] =	ssyncadd.s32 $0xFFFFF800  }
0x4a: {  	_ =	sfence.sel $0x180000  }
0x4b: {  	[bflag:$0x0] =	sbarrier.arrive $0xFFFF  }
0x4c: {  	p0 =	sne.s32 s1, $0x0;
	_ =	strace $0x90000047  }
0x4d: {  	s0 =	sadd.s32 @!p0 $0x100000, s0;
	[bflag:$0x2] =	sbarrier.arrive $0xFFFF  }
0x4e: {  	[sflag:s0] =	ssyncadd.tile.s32 @!p0 $0x1;
	_ =	shalt  }
.Lfunc_end2:
_tile_overlayer_lowered:
.L_overlay_start_2:
0x4f: {  	(tag) =	ssettag $0x2  }
0x50: {  	s0 =	rddreg [dreg:$0x0];
	s2 =	stileid.u32  }
0x51: {  	s1 =	rddreg [dreg:$0x1];
	p0 =	sne.s32 s2, $0x0  }
0x52: {  	s3 =	rddreg [dreg:$0x2];
	[bflag:$0x3] =	sbarrier.arrive $0xFFFF;
	s2 =	simm.s32 @!p0 $0x1C01  }
0x53: {  	[timem:s3], [sflag:s2] =	dma.local @!p0 [hbm:s0], s1  }
0x54: {  	s0 =	simm.s32 @!p0 $0x1  }
0x55: {  	_ =	swait.ge @!p0 [sflag:s0], s1  }
0x56: {  	s1 =	ssub.s32 @!p0 $0x0, s1;
	[sflag:s0] =	ssyncset.done @!p0 $0x0  }
0x57: {  	[sflag:s0] =	ssyncadd.s32 @!p0 s1  }
0x58: {  	[bflag:$0x3] =	sbarrier.arrive $0xFFFF  }
0x59: {  	_ =	shalt  }

</sc_bundles>
